<compile_context>
chip_gen: v7x
topology: tpu7x:2x2x1
jax: 0.10.2.dev20260603
libtpu: 0.0.44.dev20260713+nightly
codegen_flags: <defaults>
</compile_context>

<pallas_src>
import functools

import jax
import jax.numpy as jnp
from jax import lax
from jax.experimental import pallas as pl
from jax.experimental.pallas import tpu as pltpu
from jax.experimental.pallas import tpu_sc as plsc

MAX_LEN = 512
EMBED_DIM = 64
BATCH = 4096
SEQ = 200
TOTAL = BATCH * SEQ
NUM_WORKERS = 32
PER_W = TOTAL // NUM_WORKERS
UNIT = 100
NUNIT = PER_W // UNIT
NB = 8
LA = 6
NITER = NUNIT // NB
IDXROWS = PER_W // UNIT
LANES = 16


def _build_enc():
    pos = jnp.arange(0, MAX_LEN, dtype=jnp.float32).reshape(-1, 1)
    skip = jnp.arange(0, EMBED_DIM, 2, dtype=jnp.float32)
    denom = 10000.0 ** (skip / EMBED_DIM)
    enc = jnp.zeros((MAX_LEN, EMBED_DIM), dtype=jnp.float32)
    enc = enc.at[:, 0::2].set(jnp.sin(pos / denom))
    enc = enc.at[:, 1::2].set(jnp.cos(pos / denom))
    return enc[:SEQ]


def _sc_lookup(table, ids2d, enc):
    mesh = plsc.VectorSubcoreMesh(core_axis_name="c", subcore_axis_name="s")

    @functools.partial(
        pl.kernel,
        out_type=jax.ShapeDtypeStruct((TOTAL, EMBED_DIM), jnp.float32),
        mesh=mesh,
        compiler_params=pltpu.CompilerParams(use_tc_tiling_on_sc=False),
        scratch_types=[
            pltpu.VMEM((IDXROWS, UNIT), jnp.int32),
            pltpu.VMEM((SEQ, EMBED_DIM), jnp.float32),
            [pltpu.VMEM((UNIT, EMBED_DIM), jnp.float32) for _ in range(NB)],
            [pltpu.SemaphoreType.DMA for _ in range(NB)],
            [pltpu.SemaphoreType.DMA for _ in range(NB)],
        ],
    )
    def k(table_hbm, idx_hbm, enc_hbm, out_hbm, idx_v, enc_v, rows, sem_g,
          sem_s):
        wid = lax.axis_index("s") * 2 + lax.axis_index("c")
        base_row = wid * PER_W
        base_idx = pl.multiple_of(wid * IDXROWS, 8)
        pltpu.sync_copy(idx_hbm.at[pl.ds(base_idx, IDXROWS)], idx_v)
        pltpu.sync_copy(enc_hbm, enc_v)

        def gather(u, b):
            pltpu.async_copy(table_hbm.at[idx_v.at[u]], rows[b], sem_g[b])

        def out_slice(u):
            row0 = pl.multiple_of(base_row + u * UNIT, 4)
            return out_hbm.at[pl.ds(row0, UNIT)]

        for b in range(LA):
            gather(b, b)

        def outer(g, carry):
            base = g * NB
            for b in range(NB):
                u = base + b
                pltpu.make_async_copy(
                    table_hbm.at[pl.ds(0, UNIT)], rows[b], sem_g[b]).wait()
                p0 = (b % 2) * UNIT

                def add_body(r, c, b=b, p0=p0):
                    for rr in range(2):
                        for j in range(EMBED_DIM // LANES):
                            plsc.addupdate(
                                rows[b].at[2 * r + rr,
                                           pl.ds(LANES * j, LANES)],
                                enc_v[p0 + 2 * r + rr,
                                      pl.ds(LANES * j, LANES)],
                            )
                    return c

                lax.fori_loop(0, UNIT // 2, add_body, 0)
                pltpu.async_copy(rows[b], out_slice(u), sem_s[b])
                b2 = (b + LA) % NB
                u2 = u + LA

                @pl.when(u2 < NUNIT)
                def _prefetch(b2=b2, u2=u2):
                    if b < NB - LA:

                        @pl.when(base > 0)
                        def _():
                            pltpu.make_async_copy(
                                rows[b2], out_slice(u2 - NB),
                                sem_s[b2]).wait()
                    else:
                        pltpu.make_async_copy(
                            rows[b2], out_slice(u2 - NB), sem_s[b2]).wait()
                    gather(u2, b2)

            return carry

        lax.fori_loop(0, NITER, outer, 0)

        last = NUNIT - NB
        for b in range(NB):
            pltpu.make_async_copy(rows[b], out_slice(last + b),
                                  sem_s[b]).wait()

    return k(table, ids2d, enc)


def kernel(input_ids, src_table):
    ids2d = input_ids.astype(jnp.int32).reshape(TOTAL // UNIT, UNIT)
    enc = _build_enc()
    out = _sc_lookup(src_table, ids2d, enc)
    return out.reshape(BATCH, SEQ, EMBED_DIM)

# --- scband reference (transcript-rebuilt; emitter-appended) ---
"""Pipeline reference for scband-embeddings-6098853560717 (READ-ONLY COPY).

The authoritative reference and input builder live on the scoring server;
editing this copy changes nothing except your own understanding.
"""

import jax, jax.numpy as jnp
import numpy as np

MAX_LEN = 512
EMBED_DIM = 64
VOCAB = 1000000


def build_positional_encodings(max_len, embed_dim):
    pos = jnp.arange(0, max_len, dtype=jnp.float32).reshape(-1, 1)
    skip = jnp.arange(0, embed_dim, 2, dtype=jnp.float32)
    denom = 10000.0 ** (skip / embed_dim)
    enc = jnp.zeros((max_len, embed_dim), dtype=jnp.float32)
    enc = enc.at[:, 0::2].set(jnp.sin(pos / denom))
    enc = enc.at[:, 1::2].set(jnp.cos(pos / denom))
    return enc


def setup_inputs(seed: int = 0) -> dict:
    key = jax.random.key(seed)
    k1, k2 = jax.random.split(key)
    input_ids = jax.random.randint(k1, (4096, 200), 0, VOCAB, dtype=jnp.int64 if jax.config.jax_enable_x64 else jnp.int32)
    src_table = jax.random.normal(k2, (VOCAB, EMBED_DIM), dtype=jnp.float32)
    return {"input_ids": input_ids, "src_table": src_table}


def reference(input_ids, src_table):
    # Token embedding lookup (gather)
    emb = jnp.take(src_table, input_ids, axis=0)  # [B, L, D]
    # Sin/cos positional encodings (non-learnable buffer)
    enc = build_positional_encodings(MAX_LEN, EMBED_DIM)
    seq_len = emb.shape[1]
    emb = emb + enc[:seq_len]
    return emb

if __name__ == "__main__":
    import jax
    _d = setup_inputs()
    print(jax.jit(kernel)(*tuple(_d.values())))

</pallas_src>

<mosaic_0001>
#map = affine_map<(d0, d1) -> (0, 0)>
module attributes {stable_mosaic.version = 14 : i64} {
  func.func @k(%arg0: i32, %arg1: i32, %arg2: memref<1000000x64xf32, #tpu.memory_space<hbm>>, %arg3: memref<8192x100xi32, #tpu.memory_space<hbm>>, %arg4: memref<200x64xf32, #tpu.memory_space<hbm>>, %arg5: memref<819200x64xf32, #tpu.memory_space<hbm>>, %arg6: memref<256x100xi32, #tpu.memory_space<vmem>>, %arg7: memref<200x64xf32, #tpu.memory_space<vmem>>, %arg8: memref<100x64xf32, #tpu.memory_space<vmem>>, %arg9: memref<100x64xf32, #tpu.memory_space<vmem>>, %arg10: memref<100x64xf32, #tpu.memory_space<vmem>>, %arg11: memref<100x64xf32, #tpu.memory_space<vmem>>, %arg12: memref<100x64xf32, #tpu.memory_space<vmem>>, %arg13: memref<100x64xf32, #tpu.memory_space<vmem>>, %arg14: memref<100x64xf32, #tpu.memory_space<vmem>>, %arg15: memref<100x64xf32, #tpu.memory_space<vmem>>, %arg16: memref<!tpu.dma_semaphore, #tpu.memory_space<semaphore_mem>>, %arg17: memref<!tpu.dma_semaphore, #tpu.memory_space<semaphore_mem>>, %arg18: memref<!tpu.dma_semaphore, #tpu.memory_space<semaphore_mem>>, %arg19: memref<!tpu.dma_semaphore, #tpu.memory_space<semaphore_mem>>, %arg20: memref<!tpu.dma_semaphore, #tpu.memory_space<semaphore_mem>>, %arg21: memref<!tpu.dma_semaphore, #tpu.memory_space<semaphore_mem>>, %arg22: memref<!tpu.dma_semaphore, #tpu.memory_space<semaphore_mem>>, %arg23: memref<!tpu.dma_semaphore, #tpu.memory_space<semaphore_mem>>, %arg24: memref<!tpu.dma_semaphore, #tpu.memory_space<semaphore_mem>>, %arg25: memref<!tpu.dma_semaphore, #tpu.memory_space<semaphore_mem>>, %arg26: memref<!tpu.dma_semaphore, #tpu.memory_space<semaphore_mem>>, %arg27: memref<!tpu.dma_semaphore, #tpu.memory_space<semaphore_mem>>, %arg28: memref<!tpu.dma_semaphore, #tpu.memory_space<semaphore_mem>>, %arg29: memref<!tpu.dma_semaphore, #tpu.memory_space<semaphore_mem>>, %arg30: memref<!tpu.dma_semaphore, #tpu.memory_space<semaphore_mem>>, %arg31: memref<!tpu.dma_semaphore, #tpu.memory_space<semaphore_mem>>) attributes {dimension_semantics = [#tpu.dimension_semantics<core_parallel>, #tpu.dimension_semantics<subcore_parallel>], iteration_bounds = array<i64: 2, 16>, scalar_prefetch = 0 : i64, scratch_operands = 26 : i64, tpu.core_type = #tpu.core_type<sc_vector_subcore>, window_params = [{transform_indices = #map}, {transform_indices = #map}, {transform_indices = #map}, {transform_indices = #map}]} {
    %mul3A = arith.constant 2 : i32
    %mul3A_0 = arith.muli %arg1, %mul3A : i32
    %add3A = arith.addi %mul3A_0, %arg0 : i32
    %mul3A_1 = arith.constant 25600 : i32
    %mul3A_2 = arith.muli %add3A, %mul3A_1 : i32
    %mul3A_3 = arith.constant 256 : i32
    %mul3A_4 = arith.muli %add3A, %mul3A_3 : i32
    %multiple_of3A = tpu.assume_multiple %mul3A_4, 8 : i32
    "tpu.region"() ({
      %run_scoped3A = tpu.sem_alloc : memref<!tpu.dma_semaphore, #tpu.memory_space<semaphore_mem>>
      %dma_start3A_106 = arith.constant 0 : i32
      %dma_start3A_107 = tpu.memref_slice %arg3[%multiple_of3A, %dma_start3A_106] : memref<8192x100xi32, #tpu.memory_space<hbm>> -> memref<256x100xi32, #tpu.memory_space<hbm>>
      %dma_start3A_108 = arith.constant 0 : i32
      %dma_start3A_109 = tpu.memref_slice %arg3[%multiple_of3A, %dma_start3A_108] : memref<8192x100xi32, #tpu.memory_space<hbm>> -> memref<256x100xi32, #tpu.memory_space<hbm>>
      tpu.enqueue_dma source(%dma_start3A_109 : memref<256x100xi32, #tpu.memory_space<hbm>>) target(%arg6 : memref<256x100xi32, #tpu.memory_space<vmem>>) target_semaphore(%run_scoped3A : memref<!tpu.dma_semaphore, #tpu.memory_space<semaphore_mem>>)
      %dma_wait3A_110 = arith.constant 0 : i32
      %dma_wait3A_111 = tpu.memref_slice %arg3[%multiple_of3A, %dma_wait3A_110] : memref<8192x100xi32, #tpu.memory_space<hbm>> -> memref<256x100xi32, #tpu.memory_space<hbm>>
      %dma_wait3A_112 = arith.constant 0 : i32
      %dma_wait3A_113 = tpu.memref_slice %arg3[%multiple_of3A, %dma_wait3A_112] : memref<8192x100xi32, #tpu.memory_space<hbm>> -> memref<256x100xi32, #tpu.memory_space<hbm>>
      tpu.wait_dma2 semaphore(%run_scoped3A : memref<!tpu.dma_semaphore, #tpu.memory_space<semaphore_mem>>) src(%dma_wait3A_113 : memref<256x100xi32, #tpu.memory_space<hbm>>) dst(%arg6 : memref<256x100xi32, #tpu.memory_space<vmem>>)
      tpu.yield
    }) : () -> ()
    "tpu.region"() ({
      %run_scoped3A = tpu.sem_alloc : memref<!tpu.dma_semaphore, #tpu.memory_space<semaphore_mem>>
      tpu.enqueue_dma source(%arg4 : memref<200x64xf32, #tpu.memory_space<hbm>>) target(%arg7 : memref<200x64xf32, #tpu.memory_space<vmem>>) target_semaphore(%run_scoped3A : memref<!tpu.dma_semaphore, #tpu.memory_space<semaphore_mem>>)
      tpu.wait_dma2 semaphore(%run_scoped3A : memref<!tpu.dma_semaphore, #tpu.memory_space<semaphore_mem>>) src(%arg4 : memref<200x64xf32, #tpu.memory_space<hbm>>) dst(%arg7 : memref<200x64xf32, #tpu.memory_space<vmem>>)
      tpu.yield
    }) : () -> ()
    %dma_start3A = arith.constant 0 : i32
    %dma_start3A_5 = arith.constant 0 : i32
    %dma_start3A_6 = tpu.memref_slice %arg6[%dma_start3A, %dma_start3A_5] : memref<256x100xi32, #tpu.memory_space<vmem>> -> memref<1x100xi32, #tpu.memory_space<vmem>>
    %dma_start3A_7 = tpu.memref_squeeze %dma_start3A_6 : memref<1x100xi32, #tpu.memory_space<vmem>> -> memref<100xi32, #tpu.memory_space<vmem>>
    %dma_start3A_8 = arith.constant 0 : i32
    %dma_start3A_9 = arith.constant 0 : i32
    %dma_start3A_10 = tpu.memref_slice %arg2[%dma_start3A_8, %dma_start3A_9] : memref<1000000x64xf32, #tpu.memory_space<hbm>> -> memref<1000000x64xf32, #tpu.memory_space<hbm>>
    tpu.enqueue_indirect_dma source(%dma_start3A_10 : memref<1000000x64xf32, #tpu.memory_space<hbm>>) target(%arg8 : memref<100x64xf32, #tpu.memory_space<vmem>>) offsets(%dma_start3A_7 : memref<100xi32, #tpu.memory_space<vmem>>) semaphore(%arg16 : memref<!tpu.dma_semaphore, #tpu.memory_space<semaphore_mem>>)
    %dma_start3A_11 = arith.constant 1 : i32
    %dma_start3A_12 = arith.constant 0 : i32
    %dma_start3A_13 = tpu.memref_slice %arg6[%dma_start3A_11, %dma_start3A_12] : memref<256x100xi32, #tpu.memory_space<vmem>> -> memref<1x100xi32, #tpu.memory_space<vmem>>
    %dma_start3A_14 = tpu.memref_squeeze %dma_start3A_13 : memref<1x100xi32, #tpu.memory_space<vmem>> -> memref<100xi32, #tpu.memory_space<vmem>>
    %dma_start3A_15 = arith.constant 0 : i32
    %dma_start3A_16 = arith.constant 0 : i32
    %dma_start3A_17 = tpu.memref_slice %arg2[%dma_start3A_15, %dma_start3A_16] : memref<1000000x64xf32, #tpu.memory_space<hbm>> -> memref<1000000x64xf32, #tpu.memory_space<hbm>>
    tpu.enqueue_indirect_dma source(%dma_start3A_17 : memref<1000000x64xf32, #tpu.memory_space<hbm>>) target(%arg9 : memref<100x64xf32, #tpu.memory_space<vmem>>) offsets(%dma_start3A_14 : memref<100xi32, #tpu.memory_space<vmem>>) semaphore(%arg17 : memref<!tpu.dma_semaphore, #tpu.memory_space<semaphore_mem>>)
    %dma_start3A_18 = arith.constant 2 : i32
    %dma_start3A_19 = arith.constant 0 : i32
    %dma_start3A_20 = tpu.memref_slice %arg6[%dma_start3A_18, %dma_start3A_19] : memref<256x100xi32, #tpu.memory_space<vmem>> -> memref<1x100xi32, #tpu.memory_space<vmem>>
    %dma_start3A_21 = tpu.memref_squeeze %dma_start3A_20 : memref<1x100xi32, #tpu.memory_space<vmem>> -> memref<100xi32, #tpu.memory_space<vmem>>
    %dma_start3A_22 = arith.constant 0 : i32
    %dma_start3A_23 = arith.constant 0 : i32
    %dma_start3A_24 = tpu.memref_slice %arg2[%dma_start3A_22, %dma_start3A_23] : memref<1000000x64xf32, #tpu.memory_space<hbm>> -> memref<1000000x64xf32, #tpu.memory_space<hbm>>
    tpu.enqueue_indirect_dma source(%dma_start3A_24 : memref<1000000x64xf32, #tpu.memory_space<hbm>>) target(%arg10 : memref<100x64xf32, #tpu.memory_space<vmem>>) offsets(%dma_start3A_21 : memref<100xi32, #tpu.memory_space<vmem>>) semaphore(%arg18 : memref<!tpu.dma_semaphore, #tpu.memory_space<semaphore_mem>>)
    %dma_start3A_25 = arith.constant 3 : i32
    %dma_start3A_26 = arith.constant 0 : i32
    %dma_start3A_27 = tpu.memref_slice %arg6[%dma_start3A_25, %dma_start3A_26] : memref<256x100xi32, #tpu.memory_space<vmem>> -> memref<1x100xi32, #tpu.memory_space<vmem>>
    %dma_start3A_28 = tpu.memref_squeeze %dma_start3A_27 : memref<1x100xi32, #tpu.memory_space<vmem>> -> memref<100xi32, #tpu.memory_space<vmem>>
    %dma_start3A_29 = arith.constant 0 : i32
    %dma_start3A_30 = arith.constant 0 : i32
    %dma_start3A_31 = tpu.memref_slice %arg2[%dma_start3A_29, %dma_start3A_30] : memref<1000000x64xf32, #tpu.memory_space<hbm>> -> memref<1000000x64xf32, #tpu.memory_space<hbm>>
    tpu.enqueue_indirect_dma source(%dma_start3A_31 : memref<1000000x64xf32, #tpu.memory_space<hbm>>) target(%arg11 : memref<100x64xf32, #tpu.memory_space<vmem>>) offsets(%dma_start3A_28 : memref<100xi32, #tpu.memory_space<vmem>>) semaphore(%arg19 : memref<!tpu.dma_semaphore, #tpu.memory_space<semaphore_mem>>)
    %dma_start3A_32 = arith.constant 4 : i32
    %dma_start3A_33 = arith.constant 0 : i32
    %dma_start3A_34 = tpu.memref_slice %arg6[%dma_start3A_32, %dma_start3A_33] : memref<256x100xi32, #tpu.memory_space<vmem>> -> memref<1x100xi32, #tpu.memory_space<vmem>>
    %dma_start3A_35 = tpu.memref_squeeze %dma_start3A_34 : memref<1x100xi32, #tpu.memory_space<vmem>> -> memref<100xi32, #tpu.memory_space<vmem>>
    %dma_start3A_36 = arith.constant 0 : i32
    %dma_start3A_37 = arith.constant 0 : i32
    %dma_start3A_38 = tpu.memref_slice %arg2[%dma_start3A_36, %dma_start3A_37] : memref<1000000x64xf32, #tpu.memory_space<hbm>> -> memref<1000000x64xf32, #tpu.memory_space<hbm>>
    tpu.enqueue_indirect_dma source(%dma_start3A_38 : memref<1000000x64xf32, #tpu.memory_space<hbm>>) target(%arg12 : memref<100x64xf32, #tpu.memory_space<vmem>>) offsets(%dma_start3A_35 : memref<100xi32, #tpu.memory_space<vmem>>) semaphore(%arg20 : memref<!tpu.dma_semaphore, #tpu.memory_space<semaphore_mem>>)
    %dma_start3A_39 = arith.constant 5 : i32
    %dma_start3A_40 = arith.constant 0 : i32
    %dma_start3A_41 = tpu.memref_slice %arg6[%dma_start3A_39, %dma_start3A_40] : memref<256x100xi32, #tpu.memory_space<vmem>> -> memref<1x100xi32, #tpu.memory_space<vmem>>
    %dma_start3A_42 = tpu.memref_squeeze %dma_start3A_41 : memref<1x100xi32, #tpu.memory_space<vmem>> -> memref<100xi32, #tpu.memory_space<vmem>>
    %dma_start3A_43 = arith.constant 0 : i32
    %dma_start3A_44 = arith.constant 0 : i32
    %dma_start3A_45 = tpu.memref_slice %arg2[%dma_start3A_43, %dma_start3A_44] : memref<1000000x64xf32, #tpu.memory_space<hbm>> -> memref<1000000x64xf32, #tpu.memory_space<hbm>>
    tpu.enqueue_indirect_dma source(%dma_start3A_45 : memref<1000000x64xf32, #tpu.memory_space<hbm>>) target(%arg13 : memref<100x64xf32, #tpu.memory_space<vmem>>) offsets(%dma_start3A_42 : memref<100xi32, #tpu.memory_space<vmem>>) semaphore(%arg21 : memref<!tpu.dma_semaphore, #tpu.memory_space<semaphore_mem>>)
    %scan3A = arith.constant 0 : i32
    %scan3A_46 = arith.constant 0 : i32
    %scan3A_47 = arith.constant 32 : i32
    %scan3A_48 = arith.addi %scan3A_46, %scan3A_47 : i32
    %scan3A_49 = arith.constant 1 : i32
    scf.for %scan3A_106 = %scan3A_46 to %scan3A_48 step %scan3A_49  : i32 {
      %mul3A_107 = arith.constant 8 : i32
      %mul3A_108 = arith.muli %scan3A_106, %mul3A_107 : i32
      %add3A_109 = arith.constant 0 : i32
      %add3A_110 = arith.addi %mul3A_108, %add3A_109 : i32
      %dma_wait3A_111 = arith.constant 0 : i32
      %dma_wait3A_112 = arith.constant 0 : i32
      %dma_wait3A_113 = tpu.memref_slice %arg2[%dma_wait3A_111, %dma_wait3A_112] : memref<1000000x64xf32, #tpu.memory_space<hbm>> -> memref<100x64xf32, #tpu.memory_space<hbm>>
      %dma_wait3A_114 = arith.constant 0 : i32
      %dma_wait3A_115 = arith.constant 0 : i32
      %dma_wait3A_116 = tpu.memref_slice %arg2[%dma_wait3A_114, %dma_wait3A_115] : memref<1000000x64xf32, #tpu.memory_space<hbm>> -> memref<100x64xf32, #tpu.memory_space<hbm>>
      tpu.wait_dma2 semaphore(%arg16 : memref<!tpu.dma_semaphore, #tpu.memory_space<semaphore_mem>>) src(%dma_wait3A_116 : memref<100x64xf32, #tpu.memory_space<hbm>>) dst(%arg8 : memref<100x64xf32, #tpu.memory_space<vmem>>)
      %scan3A_117 = arith.constant 0 : i32
      %scan3A_118 = arith.constant 0 : i32
      %scan3A_119 = arith.constant 50 : i32
      %scan3A_120 = arith.addi %scan3A_118, %scan3A_119 : i32
      %scan3A_121 = arith.constant 1 : i32
      scf.for %scan3A_338 = %scan3A_118 to %scan3A_120 step %scan3A_121  : i32 {
        %mul3A_339 = arith.constant 2 : i32
        %mul3A_340 = arith.muli %mul3A_339, %scan3A_338 : i32
        %add3A_341 = arith.constant 0 : i32
        %add3A_342 = arith.addi %mul3A_340, %add3A_341 : i32
        %mul3A_343 = arith.constant 2 : i32
        %mul3A_344 = arith.muli %mul3A_343, %scan3A_338 : i32
        %add3A_345 = arith.constant 0 : i32
        %add3A_346 = arith.addi %add3A_345, %mul3A_344 : i32
        %add3A_347 = arith.constant 0 : i32
        %add3A_348 = arith.addi %add3A_346, %add3A_347 : i32
        %get3A = arith.index_cast %add3A_348 : i32 to index
        %get3A_349 = arith.constant 0 : index
        %get3A_350 = tpu.vector_load %arg7[%get3A, %get3A_349] {strides = array<i32>} : memref<200x64xf32, #tpu.memory_space<vmem>>, vector<1x16xf32>,
        %get3A_351 = vector.shape_cast %get3A_350 : vector<1x16xf32> to vector<16xf32>
        %swap3A = arith.index_cast %add3A_342 : i32 to index
        %swap3A_352 = arith.constant 0 : index
        %swap3A_353 = tpu.vector_load %arg8[%swap3A, %swap3A_352] {strides = array<i32>} : memref<100x64xf32, #tpu.memory_space<vmem>>, vector<1x16xf32>,
        %swap3A_354 = vector.shape_cast %swap3A_353 : vector<1x16xf32> to vector<16xf32>
        %swap3A_355 = vector.shape_cast %get3A_351 : vector<16xf32> to vector<1x16xf32>
        tpu.vector_store %arg8[%swap3A, %swap3A_352], %swap3A_355 {add = true, strides = array<i32>} : memref<100x64xf32, #tpu.memory_space<vmem>>, vector<1x16xf32>,
        %mul3A_356 = arith.constant 2 : i32
        %mul3A_357 = arith.muli %mul3A_356, %scan3A_338 : i32
        %add3A_358 = arith.constant 0 : i32
        %add3A_359 = arith.addi %mul3A_357, %add3A_358 : i32
        %mul3A_360 = arith.constant 2 : i32
        %mul3A_361 = arith.muli %mul3A_360, %scan3A_338 : i32
        %add3A_362 = arith.constant 0 : i32
        %add3A_363 = arith.addi %add3A_362, %mul3A_361 : i32
        %add3A_364 = arith.constant 0 : i32
        %add3A_365 = arith.addi %add3A_363, %add3A_364 : i32
        %get3A_366 = arith.index_cast %add3A_365 : i32 to index
        %get3A_367 = arith.constant 16 : index
        %get3A_368 = tpu.vector_load %arg7[%get3A_366, %get3A_367] {strides = array<i32>} : memref<200x64xf32, #tpu.memory_space<vmem>>, vector<1x16xf32>,
        %get3A_369 = vector.shape_cast %get3A_368 : vector<1x16xf32> to vector<16xf32>
        %swap3A_370 = arith.index_cast %add3A_359 : i32 to index
        %swap3A_371 = arith.constant 16 : index
        %swap3A_372 = tpu.vector_load %arg8[%swap3A_370, %swap3A_371] {strides = array<i32>} : memref<100x64xf32, #tpu.memory_space<vmem>>, vector<1x16xf32>,
        %swap3A_373 = vector.shape_cast %swap3A_372 : vector<1x16xf32> to vector<16xf32>
        %swap3A_374 = vector.shape_cast %get3A_369 : vector<16xf32> to vector<1x16xf32>
        tpu.vector_store %arg8[%swap3A_370, %swap3A_371], %swap3A_374 {add = true, strides = array<i32>} : memref<100x64xf32, #tpu.memory_space<vmem>>, vector<1x16xf32>,
        %mul3A_375 = arith.constant 2 : i32
        %mul3A_376 = arith.muli %mul3A_375, %scan3A_338 : i32
        %add3A_377 = arith.constant 0 : i32
        %add3A_378 = arith.addi %mul3A_376, %add3A_377 : i32
        %mul3A_379 = arith.constant 2 : i32
        %mul3A_380 = arith.muli %mul3A_379, %scan3A_338 : i32
        %add3A_381 = arith.constant 0 : i32
        %add3A_382 = arith.addi %add3A_381, %mul3A_380 : i32
        %add3A_383 = arith.constant 0 : i32
        %add3A_384 = arith.addi %add3A_382, %add3A_383 : i32
        %get3A_385 = arith.index_cast %add3A_384 : i32 to index
        %get3A_386 = arith.constant 32 : index
        %get3A_387 = tpu.vector_load %arg7[%get3A_385, %get3A_386] {strides = array<i32>} : memref<200x64xf32, #tpu.memory_space<vmem>>, vector<1x16xf32>,
        %get3A_388 = vector.shape_cast %get3A_387 : vector<1x16xf32> to vector<16xf32>
        %swap3A_389 = arith.index_cast %add3A_378 : i32 to index
        %swap3A_390 = arith.constant 32 : index
        %swap3A_391 = tpu.vector_load %arg8[%swap3A_389, %swap3A_390] {strides = array<i32>} : memref<100x64xf32, #tpu.memory_space<vmem>>, vector<1x16xf32>,
        %swap3A_392 = vector.shape_cast %swap3A_391 : vector<1x16xf32> to vector<16xf32>
        %swap3A_393 = vector.shape_cast %get3A_388 : vector<16xf32> to vector<1x16xf32>
        tpu.vector_store %arg8[%swap3A_389, %swap3A_390], %swap3A_393 {add = true, strides = array<i32>} : memref<100x64xf32, #tpu.memory_space<vmem>>, vector<1x16xf32>,
        %mul3A_394 = arith.constant 2 : i32
        %mul3A_395 = arith.muli %mul3A_394, %scan3A_338 : i32
        %add3A_396 = arith.constant 0 : i32
        %add3A_397 = arith.addi %mul3A_395, %add3A_396 : i32
        %mul3A_398 = arith.constant 2 : i32
        %mul3A_399 = arith.muli %mul3A_398, %scan3A_338 : i32
        %add3A_400 = arith.constant 0 : i32
        %add3A_401 = arith.addi %add3A_400, %mul3A_399 : i32
        %add3A_402 = arith.constant 0 : i32
        %add3A_403 = arith.addi %add3A_401, %add3A_402 : i32
        %get3A_404 = arith.index_cast %add3A_403 : i32 to index
        %get3A_405 = arith.constant 48 : index
        %get3A_406 = tpu.vector_load %arg7[%get3A_404, %get3A_405] {strides = array<i32>} : memref<200x64xf32, #tpu.memory_space<vmem>>, vector<1x16xf32>,
        %get3A_407 = vector.shape_cast %get3A_406 : vector<1x16xf32> to vector<16xf32>
        %swap3A_408 = arith.index_cast %add3A_397 : i32 to index
        %swap3A_409 = arith.constant 48 : index
        %swap3A_410 = tpu.vector_load %arg8[%swap3A_408, %swap3A_409] {strides = array<i32>} : memref<100x64xf32, #tpu.memory_space<vmem>>, vector<1x16xf32>,
        %swap3A_411 = vector.shape_cast %swap3A_410 : vector<1x16xf32> to vector<16xf32>
        %swap3A_412 = vector.shape_cast %get3A_407 : vector<16xf32> to vector<1x16xf32>
        tpu.vector_store %arg8[%swap3A_408, %swap3A_409], %swap3A_412 {add = true, strides = array<i32>} : memref<100x64xf32, #tpu.memory_space<vmem>>, vector<1x16xf32>,
        %mul3A_413 = arith.constant 2 : i32
        %mul3A_414 = arith.muli %mul3A_413, %scan3A_338 : i32
        %add3A_415 = arith.constant 1 : i32
        %add3A_416 = arith.addi %mul3A_414, %add3A_415 : i32
        %mul3A_417 = arith.constant 2 : i32
        %mul3A_418 = arith.muli %mul3A_417, %scan3A_338 : i32
        %add3A_419 = arith.constant 0 : i32
        %add3A_420 = arith.addi %add3A_419, %mul3A_418 : i32
        %add3A_421 = arith.constant 1 : i32
        %add3A_422 = arith.addi %add3A_420, %add3A_421 : i32
        %get3A_423 = arith.index_cast %add3A_422 : i32 to index
        %get3A_424 = arith.constant 0 : index
        %get3A_425 = tpu.vector_load %arg7[%get3A_423, %get3A_424] {strides = array<i32>} : memref<200x64xf32, #tpu.memory_space<vmem>>, vector<1x16xf32>,
        %get3A_426 = vector.shape_cast %get3A_425 : vector<1x16xf32> to vector<16xf32>
        %swap3A_427 = arith.index_cast %add3A_416 : i32 to index
        %swap3A_428 = arith.constant 0 : index
        %swap3A_429 = tpu.vector_load %arg8[%swap3A_427, %swap3A_428] {strides = array<i32>} : memref<100x64xf32, #tpu.memory_space<vmem>>, vector<1x16xf32>,
        %swap3A_430 = vector.shape_cast %swap3A_429 : vector<1x16xf32> to vector<16xf32>
        %swap3A_431 = vector.shape_cast %get3A_426 : vector<16xf32> to vector<1x16xf32>
        tpu.vector_store %arg8[%swap3A_427, %swap3A_428], %swap3A_431 {add = true, strides = array<i32>} : memref<100x64xf32, #tpu.memory_space<vmem>>, vector<1x16xf32>,
        %mul3A_432 = arith.constant 2 : i32
        %mul3A_433 = arith.muli %mul3A_432, %scan3A_338 : i32
        %add3A_434 = arith.constant 1 : i32
        %add3A_435 = arith.addi %mul3A_433, %add3A_434 : i32
        %mul3A_436 = arith.constant 2 : i32
        %mul3A_437 = arith.muli %mul3A_436, %scan3A_338 : i32
        %add3A_438 = arith.constant 0 : i32
        %add3A_439 = arith.addi %add3A_438, %mul3A_437 : i32
        %add3A_440 = arith.constant 1 : i32
        %add3A_441 = arith.addi %add3A_439, %add3A_440 : i32
        %get3A_442 = arith.index_cast %add3A_441 : i32 to index
        %get3A_443 = arith.constant 16 : index
        %get3A_444 = tpu.vector_load %arg7[%get3A_442, %get3A_443] {strides = array<i32>} : memref<200x64xf32, #tpu.memory_space<vmem>>, vector<1x16xf32>,
        %get3A_445 = vector.shape_cast %get3A_444 : vector<1x16xf32> to vector<16xf32>
        %swap3A_446 = arith.index_cast %add3A_435 : i32 to index
        %swap3A_447 = arith.constant 16 : index
        %swap3A_448 = tpu.vector_load %arg8[%swap3A_446, %swap3A_447] {strides = array<i32>} : memref<100x64xf32, #tpu.memory_space<vmem>>, vector<1x16xf32>,
        %swap3A_449 = vector.shape_cast %swap3A_448 : vector<1x16xf32> to vector<16xf32>
        %swap3A_450 = vector.shape_cast %get3A_445 : vector<16xf32> to vector<1x16xf32>
        tpu.vector_store %arg8[%swap3A_446, %swap3A_447], %swap3A_450 {add = true, strides = array<i32>} : memref<100x64xf32, #tpu.memory_space<vmem>>, vector<1x16xf32>,
        %mul3A_451 = arith.constant 2 : i32
        %mul3A_452 = arith.muli %mul3A_451, %scan3A_338 : i32
        %add3A_453 = arith.constant 1 : i32
        %add3A_454 = arith.addi %mul3A_452, %add3A_453 : i32
        %mul3A_455 = arith.constant 2 : i32
        %mul3A_456 = arith.muli %mul3A_455, %scan3A_338 : i32
        %add3A_457 = arith.constant 0 : i32
        %add3A_458 = arith.addi %add3A_457, %mul3A_456 : i32
        %add3A_459 = arith.constant 1 : i32
        %add3A_460 = arith.addi %add3A_458, %add3A_459 : i32
        %get3A_461 = arith.index_cast %add3A_460 : i32 to index
        %get3A_462 = arith.constant 32 : index
        %get3A_463 = tpu.vector_load %arg7[%get3A_461, %get3A_462] {strides = array<i32>} : memref<200x64xf32, #tpu.memory_space<vmem>>, vector<1x16xf32>,
        %get3A_464 = vector.shape_cast %get3A_463 : vector<1x16xf32> to vector<16xf32>
        %swap3A_465 = arith.index_cast %add3A_454 : i32 to index
        %swap3A_466 = arith.constant 32 : index
        %swap3A_467 = tpu.vector_load %arg8[%swap3A_465, %swap3A_466] {strides = array<i32>} : memref<100x64xf32, #tpu.memory_space<vmem>>, vector<1x16xf32>,
        %swap3A_468 = vector.shape_cast %swap3A_467 : vector<1x16xf32> to vector<16xf32>
        %swap3A_469 = vector.shape_cast %get3A_464 : vector<16xf32> to vector<1x16xf32>
        tpu.vector_store %arg8[%swap3A_465, %swap3A_466], %swap3A_469 {add = true, strides = array<i32>} : memref<100x64xf32, #tpu.memory_space<vmem>>, vector<1x16xf32>,
        %mul3A_470 = arith.constant 2 : i32
        %mul3A_471 = arith.muli %mul3A_470, %scan3A_338 : i32
        %add3A_472 = arith.constant 1 : i32
        %add3A_473 = arith.addi %mul3A_471, %add3A_472 : i32
        %mul3A_474 = arith.constant 2 : i32
        %mul3A_475 = arith.muli %mul3A_474, %scan3A_338 : i32
        %add3A_476 = arith.constant 0 : i32
        %add3A_477 = arith.addi %add3A_476, %mul3A_475 : i32
        %add3A_478 = arith.constant 1 : i32
        %add3A_479 = arith.addi %add3A_477, %add3A_478 : i32
        %get3A_480 = arith.index_cast %add3A_479 : i32 to index
        %get3A_481 = arith.constant 48 : index
        %get3A_482 = tpu.vector_load %arg7[%get3A_480, %get3A_481] {strides = array<i32>} : memref<200x64xf32, #tpu.memory_space<vmem>>, vector<1x16xf32>,
        %get3A_483 = vector.shape_cast %get3A_482 : vector<1x16xf32> to vector<16xf32>
        %swap3A_484 = arith.index_cast %add3A_473 : i32 to index
        %swap3A_485 = arith.constant 48 : index
        %swap3A_486 = tpu.vector_load %arg8[%swap3A_484, %swap3A_485] {strides = array<i32>} : memref<100x64xf32, #tpu.memory_space<vmem>>, vector<1x16xf32>,
        %swap3A_487 = vector.shape_cast %swap3A_486 : vector<1x16xf32> to vector<16xf32>
        %swap3A_488 = vector.shape_cast %get3A_483 : vector<16xf32> to vector<1x16xf32>
        tpu.vector_store %arg8[%swap3A_484, %swap3A_485], %swap3A_488 {add = true, strides = array<i32>} : memref<100x64xf32, #tpu.memory_space<vmem>>, vector<1x16xf32>,
      }
      %scan3A_122 = arith.constant 50 : i32
      %mul3A_123 = arith.constant 100 : i32
      %mul3A_124 = arith.muli %add3A_110, %mul3A_123 : i32
      %add3A_125 = arith.addi %mul3A_2, %mul3A_124 : i32
      %multiple_of3A_126 = tpu.assume_multiple %add3A_125, 4 : i32
      %dma_start3A_127 = arith.constant 0 : i32
      %dma_start3A_128 = tpu.memref_slice %arg5[%multiple_of3A_126, %dma_start3A_127] : memref<819200x64xf32, #tpu.memory_space<hbm>> -> memref<100x64xf32, #tpu.memory_space<hbm>>
      %dma_start3A_129 = arith.constant 0 : i32
      %dma_start3A_130 = tpu.memref_slice %arg5[%multiple_of3A_126, %dma_start3A_129] : memref<819200x64xf32, #tpu.memory_space<hbm>> -> memref<100x64xf32, #tpu.memory_space<hbm>>
      tpu.enqueue_dma source(%arg8 : memref<100x64xf32, #tpu.memory_space<vmem>>) target(%dma_start3A_130 : memref<100x64xf32, #tpu.memory_space<hbm>>) target_semaphore(%arg24 : memref<!tpu.dma_semaphore, #tpu.memory_space<semaphore_mem>>)
      %add3A_131 = arith.constant 6 : i32
      %add3A_132 = arith.addi %add3A_110, %add3A_131 : i32
      %lt3A = arith.constant 256 : i32
      %lt3A_133 = arith.cmpi slt, %add3A_132, %lt3A : i32
      %convert_element_type3A = arith.extui %lt3A_133 : i1 to i32
      %cond3A = arith.constant 0 : i32
      %cond3A_134 = arith.cmpi ne, %convert_element_type3A, %cond3A : i32
      scf.if %cond3A_134 {
        %gt3A = arith.constant 0 : i32
        %gt3A_338 = arith.cmpi sgt, %mul3A_108, %gt3A : i32
        %convert_element_type3A_339 = arith.extui %gt3A_338 : i1 to i32
        %cond3A_340 = arith.constant 0 : i32
        %cond3A_341 = arith.cmpi ne, %convert_element_type3A_339, %cond3A_340 : i32
        scf.if %cond3A_341 {
          %sub3A = arith.constant 8 : i32
          %sub3A_348 = arith.subi %add3A_132, %sub3A : i32
          %mul3A_349 = arith.constant 100 : i32
          %mul3A_350 = arith.muli %sub3A_348, %mul3A_349 : i32
          %add3A_351 = arith.addi %mul3A_2, %mul3A_350 : i32
          %multiple_of3A_352 = tpu.assume_multiple %add3A_351, 4 : i32
          %dma_wait3A_353 = arith.constant 0 : i32
          %dma_wait3A_354 = tpu.memref_slice %arg5[%multiple_of3A_352, %dma_wait3A_353] : memref<819200x64xf32, #tpu.memory_space<hbm>> -> memref<100x64xf32, #tpu.memory_space<hbm>>
          %dma_wait3A_355 = arith.constant 0 : i32
          %dma_wait3A_356 = tpu.memref_slice %arg5[%multiple_of3A_352, %dma_wait3A_355] : memref<819200x64xf32, #tpu.memory_space<hbm>> -> memref<100x64xf32, #tpu.memory_space<hbm>>
          tpu.wait_dma2 semaphore(%arg30 : memref<!tpu.dma_semaphore, #tpu.memory_space<semaphore_mem>>) src(%arg14 : memref<100x64xf32, #tpu.memory_space<vmem>>) dst(%dma_wait3A_356 : memref<100x64xf32, #tpu.memory_space<hbm>>)
        } else {
        }
        %dma_start3A_342 = arith.constant 0 : i32
        %dma_start3A_343 = tpu.memref_slice %arg6[%add3A_132, %dma_start3A_342] : memref<256x100xi32, #tpu.memory_space<vmem>> -> memref<1x100xi32, #tpu.memory_space<vmem>>
        %dma_start3A_344 = tpu.memref_squeeze %dma_start3A_343 : memref<1x100xi32, #tpu.memory_space<vmem>> -> memref<100xi32, #tpu.memory_space<vmem>>
        %dma_start3A_345 = arith.constant 0 : i32
        %dma_start3A_346 = arith.constant 0 : i32
        %dma_start3A_347 = tpu.memref_slice %arg2[%dma_start3A_345, %dma_start3A_346] : memref<1000000x64xf32, #tpu.memory_space<hbm>> -> memref<1000000x64xf32, #tpu.memory_space<hbm>>
        tpu.enqueue_indirect_dma source(%dma_start3A_347 : memref<1000000x64xf32, #tpu.memory_space<hbm>>) target(%arg14 : memref<100x64xf32, #tpu.memory_space<vmem>>) offsets(%dma_start3A_344 : memref<100xi32, #tpu.memory_space<vmem>>) semaphore(%arg22 : memref<!tpu.dma_semaphore, #tpu.memory_space<semaphore_mem>>)
      } else {
      }
      %add3A_135 = arith.constant 1 : i32
      %add3A_136 = arith.addi %mul3A_108, %add3A_135 : i32
      %dma_wait3A_137 = arith.constant 0 : i32
      %dma_wait3A_138 = arith.constant 0 : i32
      %dma_wait3A_139 = tpu.memref_slice %arg2[%dma_wait3A_137, %dma_wait3A_138] : memref<1000000x64xf32, #tpu.memory_space<hbm>> -> memref<100x64xf32, #tpu.memory_space<hbm>>
      %dma_wait3A_140 = arith.constant 0 : i32
      %dma_wait3A_141 = arith.constant 0 : i32
      %dma_wait3A_142 = tpu.memref_slice %arg2[%dma_wait3A_140, %dma_wait3A_141] : memref<1000000x64xf32, #tpu.memory_space<hbm>> -> memref<100x64xf32, #tpu.memory_space<hbm>>
      tpu.wait_dma2 semaphore(%arg17 : memref<!tpu.dma_semaphore, #tpu.memory_space<semaphore_mem>>) src(%dma_wait3A_142 : memref<100x64xf32, #tpu.memory_space<hbm>>) dst(%arg9 : memref<100x64xf32, #tpu.memory_space<vmem>>)
      %scan3A_143 = arith.constant 0 : i32
      %scan3A_144 = arith.constant 0 : i32
      %scan3A_145 = arith.constant 50 : i32
      %scan3A_146 = arith.addi %scan3A_144, %scan3A_145 : i32
      %scan3A_147 = arith.constant 1 : i32
      scf.for %scan3A_338 = %scan3A_144 to %scan3A_146 step %scan3A_147  : i32 {
        %mul3A_339 = arith.constant 2 : i32
        %mul3A_340 = arith.muli %mul3A_339, %scan3A_338 : i32
        %add3A_341 = arith.constant 0 : i32
        %add3A_342 = arith.addi %mul3A_340, %add3A_341 : i32
        %mul3A_343 = arith.constant 2 : i32
        %mul3A_344 = arith.muli %mul3A_343, %scan3A_338 : i32
        %add3A_345 = arith.constant 100 : i32
        %add3A_346 = arith.addi %add3A_345, %mul3A_344 : i32
        %add3A_347 = arith.constant 0 : i32
        %add3A_348 = arith.addi %add3A_346, %add3A_347 : i32
        %get3A = arith.index_cast %add3A_348 : i32 to index
        %get3A_349 = arith.constant 0 : index
        %get3A_350 = tpu.vector_load %arg7[%get3A, %get3A_349] {strides = array<i32>} : memref<200x64xf32, #tpu.memory_space<vmem>>, vector<1x16xf32>,
        %get3A_351 = vector.shape_cast %get3A_350 : vector<1x16xf32> to vector<16xf32>
        %swap3A = arith.index_cast %add3A_342 : i32 to index
        %swap3A_352 = arith.constant 0 : index
        %swap3A_353 = tpu.vector_load %arg9[%swap3A, %swap3A_352] {strides = array<i32>} : memref<100x64xf32, #tpu.memory_space<vmem>>, vector<1x16xf32>,
        %swap3A_354 = vector.shape_cast %swap3A_353 : vector<1x16xf32> to vector<16xf32>
        %swap3A_355 = vector.shape_cast %get3A_351 : vector<16xf32> to vector<1x16xf32>
        tpu.vector_store %arg9[%swap3A, %swap3A_352], %swap3A_355 {add = true, strides = array<i32>} : memref<100x64xf32, #tpu.memory_space<vmem>>, vector<1x16xf32>,
        %mul3A_356 = arith.constant 2 : i32
        %mul3A_357 = arith.muli %mul3A_356, %scan3A_338 : i32
        %add3A_358 = arith.constant 0 : i32
        %add3A_359 = arith.addi %mul3A_357, %add3A_358 : i32
        %mul3A_360 = arith.constant 2 : i32
        %mul3A_361 = arith.muli %mul3A_360, %scan3A_338 : i32
        %add3A_362 = arith.constant 100 : i32
        %add3A_363 = arith.addi %add3A_362, %mul3A_361 : i32
        %add3A_364 = arith.constant 0 : i32
        %add3A_365 = arith.addi %add3A_363, %add3A_364 : i32
        %get3A_366 = arith.index_cast %add3A_365 : i32 to index
        %get3A_367 = arith.constant 16 : index
        %get3A_368 = tpu.vector_load %arg7[%get3A_366, %get3A_367] {strides = array<i32>} : memref<200x64xf32, #tpu.memory_space<vmem>>, vector<1x16xf32>,
        %get3A_369 = vector.shape_cast %get3A_368 : vector<1x16xf32> to vector<16xf32>
        %swap3A_370 = arith.index_cast %add3A_359 : i32 to index
        %swap3A_371 = arith.constant 16 : index
        %swap3A_372 = tpu.vector_load %arg9[%swap3A_370, %swap3A_371] {strides = array<i32>} : memref<100x64xf32, #tpu.memory_space<vmem>>, vector<1x16xf32>,
        %swap3A_373 = vector.shape_cast %swap3A_372 : vector<1x16xf32> to vector<16xf32>
        %swap3A_374 = vector.shape_cast %get3A_369 : vector<16xf32> to vector<1x16xf32>
        tpu.vector_store %arg9[%swap3A_370, %swap3A_371], %swap3A_374 {add = true, strides = array<i32>} : memref<100x64xf32, #tpu.memory_space<vmem>>, vector<1x16xf32>,
        %mul3A_375 = arith.constant 2 : i32
        %mul3A_376 = arith.muli %mul3A_375, %scan3A_338 : i32
        %add3A_377 = arith.constant 0 : i32
        %add3A_378 = arith.addi %mul3A_376, %add3A_377 : i32
        %mul3A_379 = arith.constant 2 : i32
        %mul3A_380 = arith.muli %mul3A_379, %scan3A_338 : i32
        %add3A_381 = arith.constant 100 : i32
        %add3A_382 = arith.addi %add3A_381, %mul3A_380 : i32
        %add3A_383 = arith.constant 0 : i32
        %add3A_384 = arith.addi %add3A_382, %add3A_383 : i32
        %get3A_385 = arith.index_cast %add3A_384 : i32 to index
        %get3A_386 = arith.constant 32 : index
        %get3A_387 = tpu.vector_load %arg7[%get3A_385, %get3A_386] {strides = array<i32>} : memref<200x64xf32, #tpu.memory_space<vmem>>, vector<1x16xf32>,
        %get3A_388 = vector.shape_cast %get3A_387 : vector<1x16xf32> to vector<16xf32>
        %swap3A_389 = arith.index_cast %add3A_378 : i32 to index
        %swap3A_390 = arith.constant 32 : index
        %swap3A_391 = tpu.vector_load %arg9[%swap3A_389, %swap3A_390] {strides = array<i32>} : memref<100x64xf32, #tpu.memory_space<vmem>>, vector<1x16xf32>,
        %swap3A_392 = vector.shape_cast %swap3A_391 : vector<1x16xf32> to vector<16xf32>
        %swap3A_393 = vector.shape_cast %get3A_388 : vector<16xf32> to vector<1x16xf32>
        tpu.vector_store %arg9[%swap3A_389, %swap3A_390], %swap3A_393 {add = true, strides = array<i32>} : memref<100x64xf32, #tpu.memory_space<vmem>>, vector<1x16xf32>,
        %mul3A_394 = arith.constant 2 : i32
        %mul3A_395 = arith.muli %mul3A_394, %scan3A_338 : i32
        %add3A_396 = arith.constant 0 : i32
        %add3A_397 = arith.addi %mul3A_395, %add3A_396 : i32
        %mul3A_398 = arith.constant 2 : i32
        %mul3A_399 = arith.muli %mul3A_398, %scan3A_338 : i32
        %add3A_400 = arith.constant 100 : i32
        %add3A_401 = arith.addi %add3A_400, %mul3A_399 : i32
        %add3A_402 = arith.constant 0 : i32
        %add3A_403 = arith.addi %add3A_401, %add3A_402 : i32
        %get3A_404 = arith.index_cast %add3A_403 : i32 to index
        %get3A_405 = arith.constant 48 : index
        %get3A_406 = tpu.vector_load %arg7[%get3A_404, %get3A_405] {strides = array<i32>} : memref<200x64xf32, #tpu.memory_space<vmem>>, vector<1x16xf32>,
        %get3A_407 = vector.shape_cast %get3A_406 : vector<1x16xf32> to vector<16xf32>
        %swap3A_408 = arith.index_cast %add3A_397 : i32 to index
        %swap3A_409 = arith.constant 48 : index
        %swap3A_410 = tpu.vector_load %arg9[%swap3A_408, %swap3A_409] {strides = array<i32>} : memref<100x64xf32, #tpu.memory_space<vmem>>, vector<1x16xf32>,
        %swap3A_411 = vector.shape_cast %swap3A_410 : vector<1x16xf32> to vector<16xf32>
        %swap3A_412 = vector.shape_cast %get3A_407 : vector<16xf32> to vector<1x16xf32>
        tpu.vector_store %arg9[%swap3A_408, %swap3A_409], %swap3A_412 {add = true, strides = array<i32>} : memref<100x64xf32, #tpu.memory_space<vmem>>, vector<1x16xf32>,
        %mul3A_413 = arith.constant 2 : i32
        %mul3A_414 = arith.muli %mul3A_413, %scan3A_338 : i32
        %add3A_415 = arith.constant 1 : i32
        %add3A_416 = arith.addi %mul3A_414, %add3A_415 : i32
        %mul3A_417 = arith.constant 2 : i32
        %mul3A_418 = arith.muli %mul3A_417, %scan3A_338 : i32
        %add3A_419 = arith.constant 100 : i32
        %add3A_420 = arith.addi %add3A_419, %mul3A_418 : i32
        %add3A_421 = arith.constant 1 : i32
        %add3A_422 = arith.addi %add3A_420, %add3A_421 : i32
        %get3A_423 = arith.index_cast %add3A_422 : i32 to index
        %get3A_424 = arith.constant 0 : index
        %get3A_425 = tpu.vector_load %arg7[%get3A_423, %get3A_424] {strides = array<i32>} : memref<200x64xf32, #tpu.memory_space<vmem>>, vector<1x16xf32>,
        %get3A_426 = vector.shape_cast %get3A_425 : vector<1x16xf32> to vector<16xf32>
        %swap3A_427 = arith.index_cast %add3A_416 : i32 to index
        %swap3A_428 = arith.constant 0 : index
        %swap3A_429 = tpu.vector_load %arg9[%swap3A_427, %swap3A_428] {strides = array<i32>} : memref<100x64xf32, #tpu.memory_space<vmem>>, vector<1x16xf32>,
        %swap3A_430 = vector.shape_cast %swap3A_429 : vector<1x16xf32> to vector<16xf32>
        %swap3A_431 = vector.shape_cast %get3A_426 : vector<16xf32> to vector<1x16xf32>
        tpu.vector_store %arg9[%swap3A_427, %swap3A_428], %swap3A_431 {add = true, strides = array<i32>} : memref<100x64xf32, #tpu.memory_space<vmem>>, vector<1x16xf32>,
        %mul3A_432 = arith.constant 2 : i32
        %mul3A_433 = arith.muli %mul3A_432, %scan3A_338 : i32
        %add3A_434 = arith.constant 1 : i32
        %add3A_435 = arith.addi %mul3A_433, %add3A_434 : i32
        %mul3A_436 = arith.constant 2 : i32
        %mul3A_437 = arith.muli %mul3A_436, %scan3A_338 : i32
        %add3A_438 = arith.constant 100 : i32
        %add3A_439 = arith.addi %add3A_438, %mul3A_437 : i32
        %add3A_440 = arith.constant 1 : i32
        %add3A_441 = arith.addi %add3A_439, %add3A_440 : i32
        %get3A_442 = arith.index_cast %add3A_441 : i32 to index
        %get3A_443 = arith.constant 16 : index
        %get3A_444 = tpu.vector_load %arg7[%get3A_442, %get3A_443] {strides = array<i32>} : memref<200x64xf32, #tpu.memory_space<vmem>>, vector<1x16xf32>,
        %get3A_445 = vector.shape_cast %get3A_444 : vector<1x16xf32> to vector<16xf32>
        %swap3A_446 = arith.index_cast %add3A_435 : i32 to index
        %swap3A_447 = arith.constant 16 : index
        %swap3A_448 = tpu.vector_load %arg9[%swap3A_446, %swap3A_447] {strides = array<i32>} : memref<100x64xf32, #tpu.memory_space<vmem>>, vector<1x16xf32>,
        %swap3A_449 = vector.shape_cast %swap3A_448 : vector<1x16xf32> to vector<16xf32>
        %swap3A_450 = vector.shape_cast %get3A_445 : vector<16xf32> to vector<1x16xf32>
        tpu.vector_store %arg9[%swap3A_446, %swap3A_447], %swap3A_450 {add = true, strides = array<i32>} : memref<100x64xf32, #tpu.memory_space<vmem>>, vector<1x16xf32>,
        %mul3A_451 = arith.constant 2 : i32
        %mul3A_452 = arith.muli %mul3A_451, %scan3A_338 : i32
        %add3A_453 = arith.constant 1 : i32
        %add3A_454 = arith.addi %mul3A_452, %add3A_453 : i32
        %mul3A_455 = arith.constant 2 : i32
        %mul3A_456 = arith.muli %mul3A_455, %scan3A_338 : i32
        %add3A_457 = arith.constant 100 : i32
        %add3A_458 = arith.addi %add3A_457, %mul3A_456 : i32
        %add3A_459 = arith.constant 1 : i32
        %add3A_460 = arith.addi %add3A_458, %add3A_459 : i32
        %get3A_461 = arith.index_cast %add3A_460 : i32 to index
        %get3A_462 = arith.constant 32 : index
        %get3A_463 = tpu.vector_load %arg7[%get3A_461, %get3A_462] {strides = array<i32>} : memref<200x64xf32, #tpu.memory_space<vmem>>, vector<1x16xf32>,
        %get3A_464 = vector.shape_cast %get3A_463 : vector<1x16xf32> to vector<16xf32>
        %swap3A_465 = arith.index_cast %add3A_454 : i32 to index
        %swap3A_466 = arith.constant 32 : index
        %swap3A_467 = tpu.vector_load %arg9[%swap3A_465, %swap3A_466] {strides = array<i32>} : memref<100x64xf32, #tpu.memory_space<vmem>>, vector<1x16xf32>,
        %swap3A_468 = vector.shape_cast %swap3A_467 : vector<1x16xf32> to vector<16xf32>
        %swap3A_469 = vector.shape_cast %get3A_464 : vector<16xf32> to vector<1x16xf32>
        tpu.vector_store %arg9[%swap3A_465, %swap3A_466], %swap3A_469 {add = true, strides = array<i32>} : memref<100x64xf32, #tpu.memory_space<vmem>>, vector<1x16xf32>,
        %mul3A_470 = arith.constant 2 : i32
        %mul3A_471 = arith.muli %mul3A_470, %scan3A_338 : i32
        %add3A_472 = arith.constant 1 : i32
        %add3A_473 = arith.addi %mul3A_471, %add3A_472 : i32
        %mul3A_474 = arith.constant 2 : i32
        %mul3A_475 = arith.muli %mul3A_474, %scan3A_338 : i32
        %add3A_476 = arith.constant 100 : i32
        %add3A_477 = arith.addi %add3A_476, %mul3A_475 : i32
        %add3A_478 = arith.constant 1 : i32
        %add3A_479 = arith.addi %add3A_477, %add3A_478 : i32
        %get3A_480 = arith.index_cast %add3A_479 : i32 to index
        %get3A_481 = arith.constant 48 : index
        %get3A_482 = tpu.vector_load %arg7[%get3A_480, %get3A_481] {strides = array<i32>} : memref<200x64xf32, #tpu.memory_space<vmem>>, vector<1x16xf32>,
        %get3A_483 = vector.shape_cast %get3A_482 : vector<1x16xf32> to vector<16xf32>
        %swap3A_484 = arith.index_cast %add3A_473 : i32 to index
        %swap3A_485 = arith.constant 48 : index
        %swap3A_486 = tpu.vector_load %arg9[%swap3A_484, %swap3A_485] {strides = array<i32>} : memref<100x64xf32, #tpu.memory_space<vmem>>, vector<1x16xf32>,
        %swap3A_487 = vector.shape_cast %swap3A_486 : vector<1x16xf32> to vector<16xf32>
        %swap3A_488 = vector.shape_cast %get3A_483 : vector<16xf32> to vector<1x16xf32>
        tpu.vector_store %arg9[%swap3A_484, %swap3A_485], %swap3A_488 {add = true, strides = array<i32>} : memref<100x64xf32, #tpu.memory_space<vmem>>, vector<1x16xf32>,
      }
      %scan3A_148 = arith.constant 50 : i32
      %mul3A_149 = arith.constant 100 : i32
      %mul3A_150 = arith.muli %add3A_136, %mul3A_149 : i32
      %add3A_151 = arith.addi %mul3A_2, %mul3A_150 : i32
      %multiple_of3A_152 = tpu.assume_multiple %add3A_151, 4 : i32
      %dma_start3A_153 = arith.constant 0 : i32
      %dma_start3A_154 = tpu.memref_slice %arg5[%multiple_of3A_152, %dma_start3A_153] : memref<819200x64xf32, #tpu.memory_space<hbm>> -> memref<100x64xf32, #tpu.memory_space<hbm>>
      %dma_start3A_155 = arith.constant 0 : i32
      %dma_start3A_156 = tpu.memref_slice %arg5[%multiple_of3A_152, %dma_start3A_155] : memref<819200x64xf32, #tpu.memory_space<hbm>> -> memref<100x64xf32, #tpu.memory_space<hbm>>
      tpu.enqueue_dma source(%arg9 : memref<100x64xf32, #tpu.memory_space<vmem>>) target(%dma_start3A_156 : memref<100x64xf32, #tpu.memory_space<hbm>>) target_semaphore(%arg25 : memref<!tpu.dma_semaphore, #tpu.memory_space<semaphore_mem>>)
      %add3A_157 = arith.constant 6 : i32
      %add3A_158 = arith.addi %add3A_136, %add3A_157 : i32
      %lt3A_159 = arith.constant 256 : i32
      %lt3A_160 = arith.cmpi slt, %add3A_158, %lt3A_159 : i32
      %convert_element_type3A_161 = arith.extui %lt3A_160 : i1 to i32
      %cond3A_162 = arith.constant 0 : i32
      %cond3A_163 = arith.cmpi ne, %convert_element_type3A_161, %cond3A_162 : i32
      scf.if %cond3A_163 {
        %gt3A = arith.constant 0 : i32
        %gt3A_338 = arith.cmpi sgt, %mul3A_108, %gt3A : i32
        %convert_element_type3A_339 = arith.extui %gt3A_338 : i1 to i32
        %cond3A_340 = arith.constant 0 : i32
        %cond3A_341 = arith.cmpi ne, %convert_element_type3A_339, %cond3A_340 : i32
        scf.if %cond3A_341 {
          %sub3A = arith.constant 8 : i32
          %sub3A_348 = arith.subi %add3A_158, %sub3A : i32
          %mul3A_349 = arith.constant 100 : i32
          %mul3A_350 = arith.muli %sub3A_348, %mul3A_349 : i32
          %add3A_351 = arith.addi %mul3A_2, %mul3A_350 : i32
          %multiple_of3A_352 = tpu.assume_multiple %add3A_351, 4 : i32
          %dma_wait3A_353 = arith.constant 0 : i32
          %dma_wait3A_354 = tpu.memref_slice %arg5[%multiple_of3A_352, %dma_wait3A_353] : memref<819200x64xf32, #tpu.memory_space<hbm>> -> memref<100x64xf32, #tpu.memory_space<hbm>>
          %dma_wait3A_355 = arith.constant 0 : i32
          %dma_wait3A_356 = tpu.memref_slice %arg5[%multiple_of3A_352, %dma_wait3A_355] : memref<819200x64xf32, #tpu.memory_space<hbm>> -> memref<100x64xf32, #tpu.memory_space<hbm>>
          tpu.wait_dma2 semaphore(%arg31 : memref<!tpu.dma_semaphore, #tpu.memory_space<semaphore_mem>>) src(%arg15 : memref<100x64xf32, #tpu.memory_space<vmem>>) dst(%dma_wait3A_356 : memref<100x64xf32, #tpu.memory_space<hbm>>)
        } else {
        }
        %dma_start3A_342 = arith.constant 0 : i32
        %dma_start3A_343 = tpu.memref_slice %arg6[%add3A_158, %dma_start3A_342] : memref<256x100xi32, #tpu.memory_space<vmem>> -> memref<1x100xi32, #tpu.memory_space<vmem>>
        %dma_start3A_344 = tpu.memref_squeeze %dma_start3A_343 : memref<1x100xi32, #tpu.memory_space<vmem>> -> memref<100xi32, #tpu.memory_space<vmem>>
        %dma_start3A_345 = arith.constant 0 : i32
        %dma_start3A_346 = arith.constant 0 : i32
        %dma_start3A_347 = tpu.memref_slice %arg2[%dma_start3A_345, %dma_start3A_346] : memref<1000000x64xf32, #tpu.memory_space<hbm>> -> memref<1000000x64xf32, #tpu.memory_space<hbm>>
        tpu.enqueue_indirect_dma source(%dma_start3A_347 : memref<1000000x64xf32, #tpu.memory_space<hbm>>) target(%arg15 : memref<100x64xf32, #tpu.memory_space<vmem>>) offsets(%dma_start3A_344 : memref<100xi32, #tpu.memory_space<vmem>>) semaphore(%arg23 : memref<!tpu.dma_semaphore, #tpu.memory_space<semaphore_mem>>)
      } else {
      }
      %add3A_164 = arith.constant 2 : i32
      %add3A_165 = arith.addi %mul3A_108, %add3A_164 : i32
      %dma_wait3A_166 = arith.constant 0 : i32
      %dma_wait3A_167 = arith.constant 0 : i32
      %dma_wait3A_168 = tpu.memref_slice %arg2[%dma_wait3A_166, %dma_wait3A_167] : memref<1000000x64xf32, #tpu.memory_space<hbm>> -> memref<100x64xf32, #tpu.memory_space<hbm>>
      %dma_wait3A_169 = arith.constant 0 : i32
      %dma_wait3A_170 = arith.constant 0 : i32
      %dma_wait3A_171 = tpu.memref_slice %arg2[%dma_wait3A_169, %dma_wait3A_170] : memref<1000000x64xf32, #tpu.memory_space<hbm>> -> memref<100x64xf32, #tpu.memory_space<hbm>>
      tpu.wait_dma2 semaphore(%arg18 : memref<!tpu.dma_semaphore, #tpu.memory_space<semaphore_mem>>) src(%dma_wait3A_171 : memref<100x64xf32, #tpu.memory_space<hbm>>) dst(%arg10 : memref<100x64xf32, #tpu.memory_space<vmem>>)
      %scan3A_172 = arith.constant 0 : i32
      %scan3A_173 = arith.constant 0 : i32
      %scan3A_174 = arith.constant 50 : i32
      %scan3A_175 = arith.addi %scan3A_173, %scan3A_174 : i32
      %scan3A_176 = arith.constant 1 : i32
      scf.for %scan3A_338 = %scan3A_173 to %scan3A_175 step %scan3A_176  : i32 {
        %mul3A_339 = arith.constant 2 : i32
        %mul3A_340 = arith.muli %mul3A_339, %scan3A_338 : i32
        %add3A_341 = arith.constant 0 : i32
        %add3A_342 = arith.addi %mul3A_340, %add3A_341 : i32
        %mul3A_343 = arith.constant 2 : i32
        %mul3A_344 = arith.muli %mul3A_343, %scan3A_338 : i32
        %add3A_345 = arith.constant 0 : i32
        %add3A_346 = arith.addi %add3A_345, %mul3A_344 : i32
        %add3A_347 = arith.constant 0 : i32
        %add3A_348 = arith.addi %add3A_346, %add3A_347 : i32
        %get3A = arith.index_cast %add3A_348 : i32 to index
        %get3A_349 = arith.constant 0 : index
        %get3A_350 = tpu.vector_load %arg7[%get3A, %get3A_349] {strides = array<i32>} : memref<200x64xf32, #tpu.memory_space<vmem>>, vector<1x16xf32>,
        %get3A_351 = vector.shape_cast %get3A_350 : vector<1x16xf32> to vector<16xf32>
        %swap3A = arith.index_cast %add3A_342 : i32 to index
        %swap3A_352 = arith.constant 0 : index
        %swap3A_353 = tpu.vector_load %arg10[%swap3A, %swap3A_352] {strides = array<i32>} : memref<100x64xf32, #tpu.memory_space<vmem>>, vector<1x16xf32>,
        %swap3A_354 = vector.shape_cast %swap3A_353 : vector<1x16xf32> to vector<16xf32>
        %swap3A_355 = vector.shape_cast %get3A_351 : vector<16xf32> to vector<1x16xf32>
        tpu.vector_store %arg10[%swap3A, %swap3A_352], %swap3A_355 {add = true, strides = array<i32>} : memref<100x64xf32, #tpu.memory_space<vmem>>, vector<1x16xf32>,
        %mul3A_356 = arith.constant 2 : i32
        %mul3A_357 = arith.muli %mul3A_356, %scan3A_338 : i32
        %add3A_358 = arith.constant 0 : i32
        %add3A_359 = arith.addi %mul3A_357, %add3A_358 : i32
        %mul3A_360 = arith.constant 2 : i32
        %mul3A_361 = arith.muli %mul3A_360, %scan3A_338 : i32
        %add3A_362 = arith.constant 0 : i32
        %add3A_363 = arith.addi %add3A_362, %mul3A_361 : i32
        %add3A_364 = arith.constant 0 : i32
        %add3A_365 = arith.addi %add3A_363, %add3A_364 : i32
        %get3A_366 = arith.index_cast %add3A_365 : i32 to index
        %get3A_367 = arith.constant 16 : index
        %get3A_368 = tpu.vector_load %arg7[%get3A_366, %get3A_367] {strides = array<i32>} : memref<200x64xf32, #tpu.memory_space<vmem>>, vector<1x16xf32>,
        %get3A_369 = vector.shape_cast %get3A_368 : vector<1x16xf32> to vector<16xf32>
        %swap3A_370 = arith.index_cast %add3A_359 : i32 to index
        %swap3A_371 = arith.constant 16 : index
        %swap3A_372 = tpu.vector_load %arg10[%swap3A_370, %swap3A_371] {strides = array<i32>} : memref<100x64xf32, #tpu.memory_space<vmem>>, vector<1x16xf32>,
        %swap3A_373 = vector.shape_cast %swap3A_372 : vector<1x16xf32> to vector<16xf32>
        %swap3A_374 = vector.shape_cast %get3A_369 : vector<16xf32> to vector<1x16xf32>
        tpu.vector_store %arg10[%swap3A_370, %swap3A_371], %swap3A_374 {add = true, strides = array<i32>} : memref<100x64xf32, #tpu.memory_space<vmem>>, vector<1x16xf32>,
        %mul3A_375 = arith.constant 2 : i32
        %mul3A_376 = arith.muli %mul3A_375, %scan3A_338 : i32
        %add3A_377 = arith.constant 0 : i32
        %add3A_378 = arith.addi %mul3A_376, %add3A_377 : i32
        %mul3A_379 = arith.constant 2 : i32
        %mul3A_380 = arith.muli %mul3A_379, %scan3A_338 : i32
        %add3A_381 = arith.constant 0 : i32
        %add3A_382 = arith.addi %add3A_381, %mul3A_380 : i32
        %add3A_383 = arith.constant 0 : i32
        %add3A_384 = arith.addi %add3A_382, %add3A_383 : i32
        %get3A_385 = arith.index_cast %add3A_384 : i32 to index
        %get3A_386 = arith.constant 32 : index
        %get3A_387 = tpu.vector_load %arg7[%get3A_385, %get3A_386] {strides = array<i32>} : memref<200x64xf32, #tpu.memory_space<vmem>>, vector<1x16xf32>,
        %get3A_388 = vector.shape_cast %get3A_387 : vector<1x16xf32> to vector<16xf32>
        %swap3A_389 = arith.index_cast %add3A_378 : i32 to index
        %swap3A_390 = arith.constant 32 : index
        %swap3A_391 = tpu.vector_load %arg10[%swap3A_389, %swap3A_390] {strides = array<i32>} : memref<100x64xf32, #tpu.memory_space<vmem>>, vector<1x16xf32>,
        %swap3A_392 = vector.shape_cast %swap3A_391 : vector<1x16xf32> to vector<16xf32>
        %swap3A_393 = vector.shape_cast %get3A_388 : vector<16xf32> to vector<1x16xf32>
        tpu.vector_store %arg10[%swap3A_389, %swap3A_390], %swap3A_393 {add = true, strides = array<i32>} : memref<100x64xf32, #tpu.memory_space<vmem>>, vector<1x16xf32>,
        %mul3A_394 = arith.constant 2 : i32
        %mul3A_395 = arith.muli %mul3A_394, %scan3A_338 : i32
        %add3A_396 = arith.constant 0 : i32
        %add3A_397 = arith.addi %mul3A_395, %add3A_396 : i32
        %mul3A_398 = arith.constant 2 : i32
        %mul3A_399 = arith.muli %mul3A_398, %scan3A_338 : i32
        %add3A_400 = arith.constant 0 : i32
        %add3A_401 = arith.addi %add3A_400, %mul3A_399 : i32
        %add3A_402 = arith.constant 0 : i32
        %add3A_403 = arith.addi %add3A_401, %add3A_402 : i32
        %get3A_404 = arith.index_cast %add3A_403 : i32 to index
        %get3A_405 = arith.constant 48 : index
        %get3A_406 = tpu.vector_load %arg7[%get3A_404, %get3A_405] {strides = array<i32>} : memref<200x64xf32, #tpu.memory_space<vmem>>, vector<1x16xf32>,
        %get3A_407 = vector.shape_cast %get3A_406 : vector<1x16xf32> to vector<16xf32>
        %swap3A_408 = arith.index_cast %add3A_397 : i32 to index
        %swap3A_409 = arith.constant 48 : index
        %swap3A_410 = tpu.vector_load %arg10[%swap3A_408, %swap3A_409] {strides = array<i32>} : memref<100x64xf32, #tpu.memory_space<vmem>>, vector<1x16xf32>,
        %swap3A_411 = vector.shape_cast %swap3A_410 : vector<1x16xf32> to vector<16xf32>
        %swap3A_412 = vector.shape_cast %get3A_407 : vector<16xf32> to vector<1x16xf32>
        tpu.vector_store %arg10[%swap3A_408, %swap3A_409], %swap3A_412 {add = true, strides = array<i32>} : memref<100x64xf32, #tpu.memory_space<vmem>>, vector<1x16xf32>,
        %mul3A_413 = arith.constant 2 : i32
        %mul3A_414 = arith.muli %mul3A_413, %scan3A_338 : i32
        %add3A_415 = arith.constant 1 : i32
        %add3A_416 = arith.addi %mul3A_414, %add3A_415 : i32
        %mul3A_417 = arith.constant 2 : i32
        %mul3A_418 = arith.muli %mul3A_417, %scan3A_338 : i32
        %add3A_419 = arith.constant 0 : i32
        %add3A_420 = arith.addi %add3A_419, %mul3A_418 : i32
        %add3A_421 = arith.constant 1 : i32
        %add3A_422 = arith.addi %add3A_420, %add3A_421 : i32
        %get3A_423 = arith.index_cast %add3A_422 : i32 to index
        %get3A_424 = arith.constant 0 : index
        %get3A_425 = tpu.vector_load %arg7[%get3A_423, %get3A_424] {strides = array<i32>} : memref<200x64xf32, #tpu.memory_space<vmem>>, vector<1x16xf32>,
        %get3A_426 = vector.shape_cast %get3A_425 : vector<1x16xf32> to vector<16xf32>
        %swap3A_427 = arith.index_cast %add3A_416 : i32 to index
        %swap3A_428 = arith.constant 0 : index
        %swap3A_429 = tpu.vector_load %arg10[%swap3A_427, %swap3A_428] {strides = array<i32>} : memref<100x64xf32, #tpu.memory_space<vmem>>, vector<1x16xf32>,
        %swap3A_430 = vector.shape_cast %swap3A_429 : vector<1x16xf32> to vector<16xf32>
        %swap3A_431 = vector.shape_cast %get3A_426 : vector<16xf32> to vector<1x16xf32>
        tpu.vector_store %arg10[%swap3A_427, %swap3A_428], %swap3A_431 {add = true, strides = array<i32>} : memref<100x64xf32, #tpu.memory_space<vmem>>, vector<1x16xf32>,
        %mul3A_432 = arith.constant 2 : i32
        %mul3A_433 = arith.muli %mul3A_432, %scan3A_338 : i32
        %add3A_434 = arith.constant 1 : i32
        %add3A_435 = arith.addi %mul3A_433, %add3A_434 : i32
        %mul3A_436 = arith.constant 2 : i32
        %mul3A_437 = arith.muli %mul3A_436, %scan3A_338 : i32
        %add3A_438 = arith.constant 0 : i32
        %add3A_439 = arith.addi %add3A_438, %mul3A_437 : i32
        %add3A_440 = arith.constant 1 : i32
        %add3A_441 = arith.addi %add3A_439, %add3A_440 : i32
        %get3A_442 = arith.index_cast %add3A_441 : i32 to index
        %get3A_443 = arith.constant 16 : index
        %get3A_444 = tpu.vector_load %arg7[%get3A_442, %get3A_443] {strides = array<i32>} : memref<200x64xf32, #tpu.memory_space<vmem>>, vector<1x16xf32>,
        %get3A_445 = vector.shape_cast %get3A_444 : vector<1x16xf32> to vector<16xf32>
        %swap3A_446 = arith.index_cast %add3A_435 : i32 to index
        %swap3A_447 = arith.constant 16 : index
        %swap3A_448 = tpu.vector_load %arg10[%swap3A_446, %swap3A_447] {strides = array<i32>} : memref<100x64xf32, #tpu.memory_space<vmem>>, vector<1x16xf32>,
        %swap3A_449 = vector.shape_cast %swap3A_448 : vector<1x16xf32> to vector<16xf32>
        %swap3A_450 = vector.shape_cast %get3A_445 : vector<16xf32> to vector<1x16xf32>
        tpu.vector_store %arg10[%swap3A_446, %swap3A_447], %swap3A_450 {add = true, strides = array<i32>} : memref<100x64xf32, #tpu.memory_space<vmem>>, vector<1x16xf32>,
        %mul3A_451 = arith.constant 2 : i32
        %mul3A_452 = arith.muli %mul3A_451, %scan3A_338 : i32
        %add3A_453 = arith.constant 1 : i32
        %add3A_454 = arith.addi %mul3A_452, %add3A_453 : i32
        %mul3A_455 = arith.constant 2 : i32
        %mul3A_456 = arith.muli %mul3A_455, %scan3A_338 : i32
        %add3A_457 = arith.constant 0 : i32
        %add3A_458 = arith.addi %add3A_457, %mul3A_456 : i32
        %add3A_459 = arith.constant 1 : i32
        %add3A_460 = arith.addi %add3A_458, %add3A_459 : i32
        %get3A_461 = arith.index_cast %add3A_460 : i32 to index
        %get3A_462 = arith.constant 32 : index
        %get3A_463 = tpu.vector_load %arg7[%get3A_461, %get3A_462] {strides = array<i32>} : memref<200x64xf32, #tpu.memory_space<vmem>>, vector<1x16xf32>,
        %get3A_464 = vector.shape_cast %get3A_463 : vector<1x16xf32> to vector<16xf32>
        %swap3A_465 = arith.index_cast %add3A_454 : i32 to index
        %swap3A_466 = arith.constant 32 : index
        %swap3A_467 = tpu.vector_load %arg10[%swap3A_465, %swap3A_466] {strides = array<i32>} : memref<100x64xf32, #tpu.memory_space<vmem>>, vector<1x16xf32>,
        %swap3A_468 = vector.shape_cast %swap3A_467 : vector<1x16xf32> to vector<16xf32>
        %swap3A_469 = vector.shape_cast %get3A_464 : vector<16xf32> to vector<1x16xf32>
        tpu.vector_store %arg10[%swap3A_465, %swap3A_466], %swap3A_469 {add = true, strides = array<i32>} : memref<100x64xf32, #tpu.memory_space<vmem>>, vector<1x16xf32>,
        %mul3A_470 = arith.constant 2 : i32
        %mul3A_471 = arith.muli %mul3A_470, %scan3A_338 : i32
        %add3A_472 = arith.constant 1 : i32
        %add3A_473 = arith.addi %mul3A_471, %add3A_472 : i32
        %mul3A_474 = arith.constant 2 : i32
        %mul3A_475 = arith.muli %mul3A_474, %scan3A_338 : i32
        %add3A_476 = arith.constant 0 : i32
        %add3A_477 = arith.addi %add3A_476, %mul3A_475 : i32
        %add3A_478 = arith.constant 1 : i32
        %add3A_479 = arith.addi %add3A_477, %add3A_478 : i32
        %get3A_480 = arith.index_cast %add3A_479 : i32 to index
        %get3A_481 = arith.constant 48 : index
        %get3A_482 = tpu.vector_load %arg7[%get3A_480, %get3A_481] {strides = array<i32>} : memref<200x64xf32, #tpu.memory_space<vmem>>, vector<1x16xf32>,
        %get3A_483 = vector.shape_cast %get3A_482 : vector<1x16xf32> to vector<16xf32>
        %swap3A_484 = arith.index_cast %add3A_473 : i32 to index
        %swap3A_485 = arith.constant 48 : index
        %swap3A_486 = tpu.vector_load %arg10[%swap3A_484, %swap3A_485] {strides = array<i32>} : memref<100x64xf32, #tpu.memory_space<vmem>>, vector<1x16xf32>,
        %swap3A_487 = vector.shape_cast %swap3A_486 : vector<1x16xf32> to vector<16xf32>
        %swap3A_488 = vector.shape_cast %get3A_483 : vector<16xf32> to vector<1x16xf32>
        tpu.vector_store %arg10[%swap3A_484, %swap3A_485], %swap3A_488 {add = true, strides = array<i32>} : memref<100x64xf32, #tpu.memory_space<vmem>>, vector<1x16xf32>,
      }
      %scan3A_177 = arith.constant 50 : i32
      %mul3A_178 = arith.constant 100 : i32
      %mul3A_179 = arith.muli %add3A_165, %mul3A_178 : i32
      %add3A_180 = arith.addi %mul3A_2, %mul3A_179 : i32
      %multiple_of3A_181 = tpu.assume_multiple %add3A_180, 4 : i32
      %dma_start3A_182 = arith.constant 0 : i32
      %dma_start3A_183 = tpu.memref_slice %arg5[%multiple_of3A_181, %dma_start3A_182] : memref<819200x64xf32, #tpu.memory_space<hbm>> -> memref<100x64xf32, #tpu.memory_space<hbm>>
      %dma_start3A_184 = arith.constant 0 : i32
      %dma_start3A_185 = tpu.memref_slice %arg5[%multiple_of3A_181, %dma_start3A_184] : memref<819200x64xf32, #tpu.memory_space<hbm>> -> memref<100x64xf32, #tpu.memory_space<hbm>>
      tpu.enqueue_dma source(%arg10 : memref<100x64xf32, #tpu.memory_space<vmem>>) target(%dma_start3A_185 : memref<100x64xf32, #tpu.memory_space<hbm>>) target_semaphore(%arg26 : memref<!tpu.dma_semaphore, #tpu.memory_space<semaphore_mem>>)
      %add3A_186 = arith.constant 6 : i32
      %add3A_187 = arith.addi %add3A_165, %add3A_186 : i32
      %lt3A_188 = arith.constant 256 : i32
      %lt3A_189 = arith.cmpi slt, %add3A_187, %lt3A_188 : i32
      %convert_element_type3A_190 = arith.extui %lt3A_189 : i1 to i32
      %cond3A_191 = arith.constant 0 : i32
      %cond3A_192 = arith.cmpi ne, %convert_element_type3A_190, %cond3A_191 : i32
      scf.if %cond3A_192 {
        %sub3A = arith.constant 8 : i32
        %sub3A_338 = arith.subi %add3A_187, %sub3A : i32
        %mul3A_339 = arith.constant 100 : i32
        %mul3A_340 = arith.muli %sub3A_338, %mul3A_339 : i32
        %add3A_341 = arith.addi %mul3A_2, %mul3A_340 : i32
        %multiple_of3A_342 = tpu.assume_multiple %add3A_341, 4 : i32
        %dma_wait3A_343 = arith.constant 0 : i32
        %dma_wait3A_344 = tpu.memref_slice %arg5[%multiple_of3A_342, %dma_wait3A_343] : memref<819200x64xf32, #tpu.memory_space<hbm>> -> memref<100x64xf32, #tpu.memory_space<hbm>>
        %dma_wait3A_345 = arith.constant 0 : i32
        %dma_wait3A_346 = tpu.memref_slice %arg5[%multiple_of3A_342, %dma_wait3A_345] : memref<819200x64xf32, #tpu.memory_space<hbm>> -> memref<100x64xf32, #tpu.memory_space<hbm>>
        tpu.wait_dma2 semaphore(%arg24 : memref<!tpu.dma_semaphore, #tpu.memory_space<semaphore_mem>>) src(%arg8 : memref<100x64xf32, #tpu.memory_space<vmem>>) dst(%dma_wait3A_346 : memref<100x64xf32, #tpu.memory_space<hbm>>)
        %dma_start3A_347 = arith.constant 0 : i32
        %dma_start3A_348 = tpu.memref_slice %arg6[%add3A_187, %dma_start3A_347] : memref<256x100xi32, #tpu.memory_space<vmem>> -> memref<1x100xi32, #tpu.memory_space<vmem>>
        %dma_start3A_349 = tpu.memref_squeeze %dma_start3A_348 : memref<1x100xi32, #tpu.memory_space<vmem>> -> memref<100xi32, #tpu.memory_space<vmem>>
        %dma_start3A_350 = arith.constant 0 : i32
        %dma_start3A_351 = arith.constant 0 : i32
        %dma_start3A_352 = tpu.memref_slice %arg2[%dma_start3A_350, %dma_start3A_351] : memref<1000000x64xf32, #tpu.memory_space<hbm>> -> memref<1000000x64xf32, #tpu.memory_space<hbm>>
        tpu.enqueue_indirect_dma source(%dma_start3A_352 : memref<1000000x64xf32, #tpu.memory_space<hbm>>) target(%arg8 : memref<100x64xf32, #tpu.memory_space<vmem>>) offsets(%dma_start3A_349 : memref<100xi32, #tpu.memory_space<vmem>>) semaphore(%arg16 : memref<!tpu.dma_semaphore, #tpu.memory_space<semaphore_mem>>)
      } else {
      }
      %add3A_193 = arith.constant 3 : i32
      %add3A_194 = arith.addi %mul3A_108, %add3A_193 : i32
      %dma_wait3A_195 = arith.constant 0 : i32
      %dma_wait3A_196 = arith.constant 0 : i32
      %dma_wait3A_197 = tpu.memref_slice %arg2[%dma_wait3A_195, %dma_wait3A_196] : memref<1000000x64xf32, #tpu.memory_space<hbm>> -> memref<100x64xf32, #tpu.memory_space<hbm>>
      %dma_wait3A_198 = arith.constant 0 : i32
      %dma_wait3A_199 = arith.constant 0 : i32
      %dma_wait3A_200 = tpu.memref_slice %arg2[%dma_wait3A_198, %dma_wait3A_199] : memref<1000000x64xf32, #tpu.memory_space<hbm>> -> memref<100x64xf32, #tpu.memory_space<hbm>>
      tpu.wait_dma2 semaphore(%arg19 : memref<!tpu.dma_semaphore, #tpu.memory_space<semaphore_mem>>) src(%dma_wait3A_200 : memref<100x64xf32, #tpu.memory_space<hbm>>) dst(%arg11 : memref<100x64xf32, #tpu.memory_space<vmem>>)
      %scan3A_201 = arith.constant 0 : i32
      %scan3A_202 = arith.constant 0 : i32
      %scan3A_203 = arith.constant 50 : i32
      %scan3A_204 = arith.addi %scan3A_202, %scan3A_203 : i32
      %scan3A_205 = arith.constant 1 : i32
      scf.for %scan3A_338 = %scan3A_202 to %scan3A_204 step %scan3A_205  : i32 {
        %mul3A_339 = arith.constant 2 : i32
        %mul3A_340 = arith.muli %mul3A_339, %scan3A_338 : i32
        %add3A_341 = arith.constant 0 : i32
        %add3A_342 = arith.addi %mul3A_340, %add3A_341 : i32
        %mul3A_343 = arith.constant 2 : i32
        %mul3A_344 = arith.muli %mul3A_343, %scan3A_338 : i32
        %add3A_345 = arith.constant 100 : i32
        %add3A_346 = arith.addi %add3A_345, %mul3A_344 : i32
        %add3A_347 = arith.constant 0 : i32
        %add3A_348 = arith.addi %add3A_346, %add3A_347 : i32
        %get3A = arith.index_cast %add3A_348 : i32 to index
        %get3A_349 = arith.constant 0 : index
        %get3A_350 = tpu.vector_load %arg7[%get3A, %get3A_349] {strides = array<i32>} : memref<200x64xf32, #tpu.memory_space<vmem>>, vector<1x16xf32>,
        %get3A_351 = vector.shape_cast %get3A_350 : vector<1x16xf32> to vector<16xf32>
        %swap3A = arith.index_cast %add3A_342 : i32 to index
        %swap3A_352 = arith.constant 0 : index
        %swap3A_353 = tpu.vector_load %arg11[%swap3A, %swap3A_352] {strides = array<i32>} : memref<100x64xf32, #tpu.memory_space<vmem>>, vector<1x16xf32>,
        %swap3A_354 = vector.shape_cast %swap3A_353 : vector<1x16xf32> to vector<16xf32>
        %swap3A_355 = vector.shape_cast %get3A_351 : vector<16xf32> to vector<1x16xf32>
        tpu.vector_store %arg11[%swap3A, %swap3A_352], %swap3A_355 {add = true, strides = array<i32>} : memref<100x64xf32, #tpu.memory_space<vmem>>, vector<1x16xf32>,
        %mul3A_356 = arith.constant 2 : i32
        %mul3A_357 = arith.muli %mul3A_356, %scan3A_338 : i32
        %add3A_358 = arith.constant 0 : i32
        %add3A_359 = arith.addi %mul3A_357, %add3A_358 : i32
        %mul3A_360 = arith.constant 2 : i32
        %mul3A_361 = arith.muli %mul3A_360, %scan3A_338 : i32
        %add3A_362 = arith.constant 100 : i32
        %add3A_363 = arith.addi %add3A_362, %mul3A_361 : i32
        %add3A_364 = arith.constant 0 : i32
        %add3A_365 = arith.addi %add3A_363, %add3A_364 : i32
        %get3A_366 = arith.index_cast %add3A_365 : i32 to index
        %get3A_367 = arith.constant 16 : index
        %get3A_368 = tpu.vector_load %arg7[%get3A_366, %get3A_367] {strides = array<i32>} : memref<200x64xf32, #tpu.memory_space<vmem>>, vector<1x16xf32>,
        %get3A_369 = vector.shape_cast %get3A_368 : vector<1x16xf32> to vector<16xf32>
        %swap3A_370 = arith.index_cast %add3A_359 : i32 to index
        %swap3A_371 = arith.constant 16 : index
        %swap3A_372 = tpu.vector_load %arg11[%swap3A_370, %swap3A_371] {strides = array<i32>} : memref<100x64xf32, #tpu.memory_space<vmem>>, vector<1x16xf32>,
        %swap3A_373 = vector.shape_cast %swap3A_372 : vector<1x16xf32> to vector<16xf32>
        %swap3A_374 = vector.shape_cast %get3A_369 : vector<16xf32> to vector<1x16xf32>
        tpu.vector_store %arg11[%swap3A_370, %swap3A_371], %swap3A_374 {add = true, strides = array<i32>} : memref<100x64xf32, #tpu.memory_space<vmem>>, vector<1x16xf32>,
        %mul3A_375 = arith.constant 2 : i32
        %mul3A_376 = arith.muli %mul3A_375, %scan3A_338 : i32
        %add3A_377 = arith.constant 0 : i32
        %add3A_378 = arith.addi %mul3A_376, %add3A_377 : i32
        %mul3A_379 = arith.constant 2 : i32
        %mul3A_380 = arith.muli %mul3A_379, %scan3A_338 : i32
        %add3A_381 = arith.constant 100 : i32
        %add3A_382 = arith.addi %add3A_381, %mul3A_380 : i32
        %add3A_383 = arith.constant 0 : i32
        %add3A_384 = arith.addi %add3A_382, %add3A_383 : i32
        %get3A_385 = arith.index_cast %add3A_384 : i32 to index
        %get3A_386 = arith.constant 32 : index
        %get3A_387 = tpu.vector_load %arg7[%get3A_385, %get3A_386] {strides = array<i32>} : memref<200x64xf32, #tpu.memory_space<vmem>>, vector<1x16xf32>,
        %get3A_388 = vector.shape_cast %get3A_387 : vector<1x16xf32> to vector<16xf32>
        %swap3A_389 = arith.index_cast %add3A_378 : i32 to index
        %swap3A_390 = arith.constant 32 : index
        %swap3A_391 = tpu.vector_load %arg11[%swap3A_389, %swap3A_390] {strides = array<i32>} : memref<100x64xf32, #tpu.memory_space<vmem>>, vector<1x16xf32>,
        %swap3A_392 = vector.shape_cast %swap3A_391 : vector<1x16xf32> to vector<16xf32>
        %swap3A_393 = vector.shape_cast %get3A_388 : vector<16xf32> to vector<1x16xf32>
        tpu.vector_store %arg11[%swap3A_389, %swap3A_390], %swap3A_393 {add = true, strides = array<i32>} : memref<100x64xf32, #tpu.memory_space<vmem>>, vector<1x16xf32>,
        %mul3A_394 = arith.constant 2 : i32
        %mul3A_395 = arith.muli %mul3A_394, %scan3A_338 : i32
        %add3A_396 = arith.constant 0 : i32
        %add3A_397 = arith.addi %mul3A_395, %add3A_396 : i32
        %mul3A_398 = arith.constant 2 : i32
        %mul3A_399 = arith.muli %mul3A_398, %scan3A_338 : i32
        %add3A_400 = arith.constant 100 : i32
        %add3A_401 = arith.addi %add3A_400, %mul3A_399 : i32
        %add3A_402 = arith.constant 0 : i32
        %add3A_403 = arith.addi %add3A_401, %add3A_402 : i32
        %get3A_404 = arith.index_cast %add3A_403 : i32 to index
        %get3A_405 = arith.constant 48 : index
        %get3A_406 = tpu.vector_load %arg7[%get3A_404, %get3A_405] {strides = array<i32>} : memref<200x64xf32, #tpu.memory_space<vmem>>, vector<1x16xf32>,
        %get3A_407 = vector.shape_cast %get3A_406 : vector<1x16xf32> to vector<16xf32>
        %swap3A_408 = arith.index_cast %add3A_397 : i32 to index
        %swap3A_409 = arith.constant 48 : index
        %swap3A_410 = tpu.vector_load %arg11[%swap3A_408, %swap3A_409] {strides = array<i32>} : memref<100x64xf32, #tpu.memory_space<vmem>>, vector<1x16xf32>,
        %swap3A_411 = vector.shape_cast %swap3A_410 : vector<1x16xf32> to vector<16xf32>
        %swap3A_412 = vector.shape_cast %get3A_407 : vector<16xf32> to vector<1x16xf32>
        tpu.vector_store %arg11[%swap3A_408, %swap3A_409], %swap3A_412 {add = true, strides = array<i32>} : memref<100x64xf32, #tpu.memory_space<vmem>>, vector<1x16xf32>,
        %mul3A_413 = arith.constant 2 : i32
        %mul3A_414 = arith.muli %mul3A_413, %scan3A_338 : i32
        %add3A_415 = arith.constant 1 : i32
        %add3A_416 = arith.addi %mul3A_414, %add3A_415 : i32
        %mul3A_417 = arith.constant 2 : i32
        %mul3A_418 = arith.muli %mul3A_417, %scan3A_338 : i32
        %add3A_419 = arith.constant 100 : i32
        %add3A_420 = arith.addi %add3A_419, %mul3A_418 : i32
        %add3A_421 = arith.constant 1 : i32
        %add3A_422 = arith.addi %add3A_420, %add3A_421 : i32
        %get3A_423 = arith.index_cast %add3A_422 : i32 to index
        %get3A_424 = arith.constant 0 : index
        %get3A_425 = tpu.vector_load %arg7[%get3A_423, %get3A_424] {strides = array<i32>} : memref<200x64xf32, #tpu.memory_space<vmem>>, vector<1x16xf32>,
        %get3A_426 = vector.shape_cast %get3A_425 : vector<1x16xf32> to vector<16xf32>
        %swap3A_427 = arith.index_cast %add3A_416 : i32 to index
        %swap3A_428 = arith.constant 0 : index
        %swap3A_429 = tpu.vector_load %arg11[%swap3A_427, %swap3A_428] {strides = array<i32>} : memref<100x64xf32, #tpu.memory_space<vmem>>, vector<1x16xf32>,
        %swap3A_430 = vector.shape_cast %swap3A_429 : vector<1x16xf32> to vector<16xf32>
        %swap3A_431 = vector.shape_cast %get3A_426 : vector<16xf32> to vector<1x16xf32>
        tpu.vector_store %arg11[%swap3A_427, %swap3A_428], %swap3A_431 {add = true, strides = array<i32>} : memref<100x64xf32, #tpu.memory_space<vmem>>, vector<1x16xf32>,
        %mul3A_432 = arith.constant 2 : i32
        %mul3A_433 = arith.muli %mul3A_432, %scan3A_338 : i32
        %add3A_434 = arith.constant 1 : i32
        %add3A_435 = arith.addi %mul3A_433, %add3A_434 : i32
        %mul3A_436 = arith.constant 2 : i32
        %mul3A_437 = arith.muli %mul3A_436, %scan3A_338 : i32
        %add3A_438 = arith.constant 100 : i32
        %add3A_439 = arith.addi %add3A_438, %mul3A_437 : i32
        %add3A_440 = arith.constant 1 : i32
        %add3A_441 = arith.addi %add3A_439, %add3A_440 : i32
        %get3A_442 = arith.index_cast %add3A_441 : i32 to index
        %get3A_443 = arith.constant 16 : index
        %get3A_444 = tpu.vector_load %arg7[%get3A_442, %get3A_443] {strides = array<i32>} : memref<200x64xf32, #tpu.memory_space<vmem>>, vector<1x16xf32>,
        %get3A_445 = vector.shape_cast %get3A_444 : vector<1x16xf32> to vector<16xf32>
        %swap3A_446 = arith.index_cast %add3A_435 : i32 to index
        %swap3A_447 = arith.constant 16 : index
        %swap3A_448 = tpu.vector_load %arg11[%swap3A_446, %swap3A_447] {strides = array<i32>} : memref<100x64xf32, #tpu.memory_space<vmem>>, vector<1x16xf32>,
        %swap3A_449 = vector.shape_cast %swap3A_448 : vector<1x16xf32> to vector<16xf32>
        %swap3A_450 = vector.shape_cast %get3A_445 : vector<16xf32> to vector<1x16xf32>
        tpu.vector_store %arg11[%swap3A_446, %swap3A_447], %swap3A_450 {add = true, strides = array<i32>} : memref<100x64xf32, #tpu.memory_space<vmem>>, vector<1x16xf32>,
        %mul3A_451 = arith.constant 2 : i32
        %mul3A_452 = arith.muli %mul3A_451, %scan3A_338 : i32
        %add3A_453 = arith.constant 1 : i32
        %add3A_454 = arith.addi %mul3A_452, %add3A_453 : i32
        %mul3A_455 = arith.constant 2 : i32
        %mul3A_456 = arith.muli %mul3A_455, %scan3A_338 : i32
        %add3A_457 = arith.constant 100 : i32
        %add3A_458 = arith.addi %add3A_457, %mul3A_456 : i32
        %add3A_459 = arith.constant 1 : i32
        %add3A_460 = arith.addi %add3A_458, %add3A_459 : i32
        %get3A_461 = arith.index_cast %add3A_460 : i32 to index
        %get3A_462 = arith.constant 32 : index
        %get3A_463 = tpu.vector_load %arg7[%get3A_461, %get3A_462] {strides = array<i32>} : memref<200x64xf32, #tpu.memory_space<vmem>>, vector<1x16xf32>,
        %get3A_464 = vector.shape_cast %get3A_463 : vector<1x16xf32> to vector<16xf32>
        %swap3A_465 = arith.index_cast %add3A_454 : i32 to index
        %swap3A_466 = arith.constant 32 : index
        %swap3A_467 = tpu.vector_load %arg11[%swap3A_465, %swap3A_466] {strides = array<i32>} : memref<100x64xf32, #tpu.memory_space<vmem>>, vector<1x16xf32>,
        %swap3A_468 = vector.shape_cast %swap3A_467 : vector<1x16xf32> to vector<16xf32>
        %swap3A_469 = vector.shape_cast %get3A_464 : vector<16xf32> to vector<1x16xf32>
        tpu.vector_store %arg11[%swap3A_465, %swap3A_466], %swap3A_469 {add = true, strides = array<i32>} : memref<100x64xf32, #tpu.memory_space<vmem>>, vector<1x16xf32>,
        %mul3A_470 = arith.constant 2 : i32
        %mul3A_471 = arith.muli %mul3A_470, %scan3A_338 : i32
        %add3A_472 = arith.constant 1 : i32
        %add3A_473 = arith.addi %mul3A_471, %add3A_472 : i32
        %mul3A_474 = arith.constant 2 : i32
        %mul3A_475 = arith.muli %mul3A_474, %scan3A_338 : i32
        %add3A_476 = arith.constant 100 : i32
        %add3A_477 = arith.addi %add3A_476, %mul3A_475 : i32
        %add3A_478 = arith.constant 1 : i32
        %add3A_479 = arith.addi %add3A_477, %add3A_478 : i32
        %get3A_480 = arith.index_cast %add3A_479 : i32 to index
        %get3A_481 = arith.constant 48 : index
        %get3A_482 = tpu.vector_load %arg7[%get3A_480, %get3A_481] {strides = array<i32>} : memref<200x64xf32, #tpu.memory_space<vmem>>, vector<1x16xf32>,
        %get3A_483 = vector.shape_cast %get3A_482 : vector<1x16xf32> to vector<16xf32>
        %swap3A_484 = arith.index_cast %add3A_473 : i32 to index
        %swap3A_485 = arith.constant 48 : index
        %swap3A_486 = tpu.vector_load %arg11[%swap3A_484, %swap3A_485] {strides = array<i32>} : memref<100x64xf32, #tpu.memory_space<vmem>>, vector<1x16xf32>,
        %swap3A_487 = vector.shape_cast %swap3A_486 : vector<1x16xf32> to vector<16xf32>
        %swap3A_488 = vector.shape_cast %get3A_483 : vector<16xf32> to vector<1x16xf32>
        tpu.vector_store %arg11[%swap3A_484, %swap3A_485], %swap3A_488 {add = true, strides = array<i32>} : memref<100x64xf32, #tpu.memory_space<vmem>>, vector<1x16xf32>,
      }
      %scan3A_206 = arith.constant 50 : i32
      %mul3A_207 = arith.constant 100 : i32
      %mul3A_208 = arith.muli %add3A_194, %mul3A_207 : i32
      %add3A_209 = arith.addi %mul3A_2, %mul3A_208 : i32
      %multiple_of3A_210 = tpu.assume_multiple %add3A_209, 4 : i32
      %dma_start3A_211 = arith.constant 0 : i32
      %dma_start3A_212 = tpu.memref_slice %arg5[%multiple_of3A_210, %dma_start3A_211] : memref<819200x64xf32, #tpu.memory_space<hbm>> -> memref<100x64xf32, #tpu.memory_space<hbm>>
      %dma_start3A_213 = arith.constant 0 : i32
      %dma_start3A_214 = tpu.memref_slice %arg5[%multiple_of3A_210, %dma_start3A_213] : memref<819200x64xf32, #tpu.memory_space<hbm>> -> memref<100x64xf32, #tpu.memory_space<hbm>>
      tpu.enqueue_dma source(%arg11 : memref<100x64xf32, #tpu.memory_space<vmem>>) target(%dma_start3A_214 : memref<100x64xf32, #tpu.memory_space<hbm>>) target_semaphore(%arg27 : memref<!tpu.dma_semaphore, #tpu.memory_space<semaphore_mem>>)
      %add3A_215 = arith.constant 6 : i32
      %add3A_216 = arith.addi %add3A_194, %add3A_215 : i32
      %lt3A_217 = arith.constant 256 : i32
      %lt3A_218 = arith.cmpi slt, %add3A_216, %lt3A_217 : i32
      %convert_element_type3A_219 = arith.extui %lt3A_218 : i1 to i32
      %cond3A_220 = arith.constant 0 : i32
      %cond3A_221 = arith.cmpi ne, %convert_element_type3A_219, %cond3A_220 : i32
      scf.if %cond3A_221 {
        %sub3A = arith.constant 8 : i32
        %sub3A_338 = arith.subi %add3A_216, %sub3A : i32
        %mul3A_339 = arith.constant 100 : i32
        %mul3A_340 = arith.muli %sub3A_338, %mul3A_339 : i32
        %add3A_341 = arith.addi %mul3A_2, %mul3A_340 : i32
        %multiple_of3A_342 = tpu.assume_multiple %add3A_341, 4 : i32
        %dma_wait3A_343 = arith.constant 0 : i32
        %dma_wait3A_344 = tpu.memref_slice %arg5[%multiple_of3A_342, %dma_wait3A_343] : memref<819200x64xf32, #tpu.memory_space<hbm>> -> memref<100x64xf32, #tpu.memory_space<hbm>>
        %dma_wait3A_345 = arith.constant 0 : i32
        %dma_wait3A_346 = tpu.memref_slice %arg5[%multiple_of3A_342, %dma_wait3A_345] : memref<819200x64xf32, #tpu.memory_space<hbm>> -> memref<100x64xf32, #tpu.memory_space<hbm>>
        tpu.wait_dma2 semaphore(%arg25 : memref<!tpu.dma_semaphore, #tpu.memory_space<semaphore_mem>>) src(%arg9 : memref<100x64xf32, #tpu.memory_space<vmem>>) dst(%dma_wait3A_346 : memref<100x64xf32, #tpu.memory_space<hbm>>)
        %dma_start3A_347 = arith.constant 0 : i32
        %dma_start3A_348 = tpu.memref_slice %arg6[%add3A_216, %dma_start3A_347] : memref<256x100xi32, #tpu.memory_space<vmem>> -> memref<1x100xi32, #tpu.memory_space<vmem>>
        %dma_start3A_349 = tpu.memref_squeeze %dma_start3A_348 : memref<1x100xi32, #tpu.memory_space<vmem>> -> memref<100xi32, #tpu.memory_space<vmem>>
        %dma_start3A_350 = arith.constant 0 : i32
        %dma_start3A_351 = arith.constant 0 : i32
        %dma_start3A_352 = tpu.memref_slice %arg2[%dma_start3A_350, %dma_start3A_351] : memref<1000000x64xf32, #tpu.memory_space<hbm>> -> memref<1000000x64xf32, #tpu.memory_space<hbm>>
        tpu.enqueue_indirect_dma source(%dma_start3A_352 : memref<1000000x64xf32, #tpu.memory_space<hbm>>) target(%arg9 : memref<100x64xf32, #tpu.memory_space<vmem>>) offsets(%dma_start3A_349 : memref<100xi32, #tpu.memory_space<vmem>>) semaphore(%arg17 : memref<!tpu.dma_semaphore, #tpu.memory_space<semaphore_mem>>)
      } else {
      }
      %add3A_222 = arith.constant 4 : i32
      %add3A_223 = arith.addi %mul3A_108, %add3A_222 : i32
      %dma_wait3A_224 = arith.constant 0 : i32
      %dma_wait3A_225 = arith.constant 0 : i32
      %dma_wait3A_226 = tpu.memref_slice %arg2[%dma_wait3A_224, %dma_wait3A_225] : memref<1000000x64xf32, #tpu.memory_space<hbm>> -> memref<100x64xf32, #tpu.memory_space<hbm>>
      %dma_wait3A_227 = arith.constant 0 : i32
      %dma_wait3A_228 = arith.constant 0 : i32
      %dma_wait3A_229 = tpu.memref_slice %arg2[%dma_wait3A_227, %dma_wait3A_228] : memref<1000000x64xf32, #tpu.memory_space<hbm>> -> memref<100x64xf32, #tpu.memory_space<hbm>>
      tpu.wait_dma2 semaphore(%arg20 : memref<!tpu.dma_semaphore, #tpu.memory_space<semaphore_mem>>) src(%dma_wait3A_229 : memref<100x64xf32, #tpu.memory_space<hbm>>) dst(%arg12 : memref<100x64xf32, #tpu.memory_space<vmem>>)
      %scan3A_230 = arith.constant 0 : i32
      %scan3A_231 = arith.constant 0 : i32
      %scan3A_232 = arith.constant 50 : i32
      %scan3A_233 = arith.addi %scan3A_231, %scan3A_232 : i32
      %scan3A_234 = arith.constant 1 : i32
      scf.for %scan3A_338 = %scan3A_231 to %scan3A_233 step %scan3A_234  : i32 {
        %mul3A_339 = arith.constant 2 : i32
        %mul3A_340 = arith.muli %mul3A_339, %scan3A_338 : i32
        %add3A_341 = arith.constant 0 : i32
        %add3A_342 = arith.addi %mul3A_340, %add3A_341 : i32
        %mul3A_343 = arith.constant 2 : i32
        %mul3A_344 = arith.muli %mul3A_343, %scan3A_338 : i32
        %add3A_345 = arith.constant 0 : i32
        %add3A_346 = arith.addi %add3A_345, %mul3A_344 : i32
        %add3A_347 = arith.constant 0 : i32
        %add3A_348 = arith.addi %add3A_346, %add3A_347 : i32
        %get3A = arith.index_cast %add3A_348 : i32 to index
        %get3A_349 = arith.constant 0 : index
        %get3A_350 = tpu.vector_load %arg7[%get3A, %get3A_349] {strides = array<i32>} : memref<200x64xf32, #tpu.memory_space<vmem>>, vector<1x16xf32>,
        %get3A_351 = vector.shape_cast %get3A_350 : vector<1x16xf32> to vector<16xf32>
        %swap3A = arith.index_cast %add3A_342 : i32 to index
        %swap3A_352 = arith.constant 0 : index
        %swap3A_353 = tpu.vector_load %arg12[%swap3A, %swap3A_352] {strides = array<i32>} : memref<100x64xf32, #tpu.memory_space<vmem>>, vector<1x16xf32>,
        %swap3A_354 = vector.shape_cast %swap3A_353 : vector<1x16xf32> to vector<16xf32>
        %swap3A_355 = vector.shape_cast %get3A_351 : vector<16xf32> to vector<1x16xf32>
        tpu.vector_store %arg12[%swap3A, %swap3A_352], %swap3A_355 {add = true, strides = array<i32>} : memref<100x64xf32, #tpu.memory_space<vmem>>, vector<1x16xf32>,
        %mul3A_356 = arith.constant 2 : i32
        %mul3A_357 = arith.muli %mul3A_356, %scan3A_338 : i32
        %add3A_358 = arith.constant 0 : i32
        %add3A_359 = arith.addi %mul3A_357, %add3A_358 : i32
        %mul3A_360 = arith.constant 2 : i32
        %mul3A_361 = arith.muli %mul3A_360, %scan3A_338 : i32
        %add3A_362 = arith.constant 0 : i32
        %add3A_363 = arith.addi %add3A_362, %mul3A_361 : i32
        %add3A_364 = arith.constant 0 : i32
        %add3A_365 = arith.addi %add3A_363, %add3A_364 : i32
        %get3A_366 = arith.index_cast %add3A_365 : i32 to index
        %get3A_367 = arith.constant 16 : index
        %get3A_368 = tpu.vector_load %arg7[%get3A_366, %get3A_367] {strides = array<i32>} : memref<200x64xf32, #tpu.memory_space<vmem>>, vector<1x16xf32>,
        %get3A_369 = vector.shape_cast %get3A_368 : vector<1x16xf32> to vector<16xf32>
        %swap3A_370 = arith.index_cast %add3A_359 : i32 to index
        %swap3A_371 = arith.constant 16 : index
        %swap3A_372 = tpu.vector_load %arg12[%swap3A_370, %swap3A_371] {strides = array<i32>} : memref<100x64xf32, #tpu.memory_space<vmem>>, vector<1x16xf32>,
        %swap3A_373 = vector.shape_cast %swap3A_372 : vector<1x16xf32> to vector<16xf32>
        %swap3A_374 = vector.shape_cast %get3A_369 : vector<16xf32> to vector<1x16xf32>
        tpu.vector_store %arg12[%swap3A_370, %swap3A_371], %swap3A_374 {add = true, strides = array<i32>} : memref<100x64xf32, #tpu.memory_space<vmem>>, vector<1x16xf32>,
        %mul3A_375 = arith.constant 2 : i32
        %mul3A_376 = arith.muli %mul3A_375, %scan3A_338 : i32
        %add3A_377 = arith.constant 0 : i32
        %add3A_378 = arith.addi %mul3A_376, %add3A_377 : i32
        %mul3A_379 = arith.constant 2 : i32
        %mul3A_380 = arith.muli %mul3A_379, %scan3A_338 : i32
        %add3A_381 = arith.constant 0 : i32
        %add3A_382 = arith.addi %add3A_381, %mul3A_380 : i32
        %add3A_383 = arith.constant 0 : i32
        %add3A_384 = arith.addi %add3A_382, %add3A_383 : i32
        %get3A_385 = arith.index_cast %add3A_384 : i32 to index
        %get3A_386 = arith.constant 32 : index
        %get3A_387 = tpu.vector_load %arg7[%get3A_385, %get3A_386] {strides = array<i32>} : memref<200x64xf32, #tpu.memory_space<vmem>>, vector<1x16xf32>,
        %get3A_388 = vector.shape_cast %get3A_387 : vector<1x16xf32> to vector<16xf32>
        %swap3A_389 = arith.index_cast %add3A_378 : i32 to index
        %swap3A_390 = arith.constant 32 : index
        %swap3A_391 = tpu.vector_load %arg12[%swap3A_389, %swap3A_390] {strides = array<i32>} : memref<100x64xf32, #tpu.memory_space<vmem>>, vector<1x16xf32>,
        %swap3A_392 = vector.shape_cast %swap3A_391 : vector<1x16xf32> to vector<16xf32>
        %swap3A_393 = vector.shape_cast %get3A_388 : vector<16xf32> to vector<1x16xf32>
        tpu.vector_store %arg12[%swap3A_389, %swap3A_390], %swap3A_393 {add = true, strides = array<i32>} : memref<100x64xf32, #tpu.memory_space<vmem>>, vector<1x16xf32>,
        %mul3A_394 = arith.constant 2 : i32
        %mul3A_395 = arith.muli %mul3A_394, %scan3A_338 : i32
        %add3A_396 = arith.constant 0 : i32
        %add3A_397 = arith.addi %mul3A_395, %add3A_396 : i32
        %mul3A_398 = arith.constant 2 : i32
        %mul3A_399 = arith.muli %mul3A_398, %scan3A_338 : i32
        %add3A_400 = arith.constant 0 : i32
        %add3A_401 = arith.addi %add3A_400, %mul3A_399 : i32
        %add3A_402 = arith.constant 0 : i32
        %add3A_403 = arith.addi %add3A_401, %add3A_402 : i32
        %get3A_404 = arith.index_cast %add3A_403 : i32 to index
        %get3A_405 = arith.constant 48 : index
        %get3A_406 = tpu.vector_load %arg7[%get3A_404, %get3A_405] {strides = array<i32>} : memref<200x64xf32, #tpu.memory_space<vmem>>, vector<1x16xf32>,
        %get3A_407 = vector.shape_cast %get3A_406 : vector<1x16xf32> to vector<16xf32>
        %swap3A_408 = arith.index_cast %add3A_397 : i32 to index
        %swap3A_409 = arith.constant 48 : index
        %swap3A_410 = tpu.vector_load %arg12[%swap3A_408, %swap3A_409] {strides = array<i32>} : memref<100x64xf32, #tpu.memory_space<vmem>>, vector<1x16xf32>,
        %swap3A_411 = vector.shape_cast %swap3A_410 : vector<1x16xf32> to vector<16xf32>
        %swap3A_412 = vector.shape_cast %get3A_407 : vector<16xf32> to vector<1x16xf32>
        tpu.vector_store %arg12[%swap3A_408, %swap3A_409], %swap3A_412 {add = true, strides = array<i32>} : memref<100x64xf32, #tpu.memory_space<vmem>>, vector<1x16xf32>,
        %mul3A_413 = arith.constant 2 : i32
        %mul3A_414 = arith.muli %mul3A_413, %scan3A_338 : i32
        %add3A_415 = arith.constant 1 : i32
        %add3A_416 = arith.addi %mul3A_414, %add3A_415 : i32
        %mul3A_417 = arith.constant 2 : i32
        %mul3A_418 = arith.muli %mul3A_417, %scan3A_338 : i32
        %add3A_419 = arith.constant 0 : i32
        %add3A_420 = arith.addi %add3A_419, %mul3A_418 : i32
        %add3A_421 = arith.constant 1 : i32
        %add3A_422 = arith.addi %add3A_420, %add3A_421 : i32
        %get3A_423 = arith.index_cast %add3A_422 : i32 to index
        %get3A_424 = arith.constant 0 : index
        %get3A_425 = tpu.vector_load %arg7[%get3A_423, %get3A_424] {strides = array<i32>} : memref<200x64xf32, #tpu.memory_space<vmem>>, vector<1x16xf32>,
        %get3A_426 = vector.shape_cast %get3A_425 : vector<1x16xf32> to vector<16xf32>
        %swap3A_427 = arith.index_cast %add3A_416 : i32 to index
        %swap3A_428 = arith.constant 0 : index
        %swap3A_429 = tpu.vector_load %arg12[%swap3A_427, %swap3A_428] {strides = array<i32>} : memref<100x64xf32, #tpu.memory_space<vmem>>, vector<1x16xf32>,
        %swap3A_430 = vector.shape_cast %swap3A_429 : vector<1x16xf32> to vector<16xf32>
        %swap3A_431 = vector.shape_cast %get3A_426 : vector<16xf32> to vector<1x16xf32>
        tpu.vector_store %arg12[%swap3A_427, %swap3A_428], %swap3A_431 {add = true, strides = array<i32>} : memref<100x64xf32, #tpu.memory_space<vmem>>, vector<1x16xf32>,
        %mul3A_432 = arith.constant 2 : i32
        %mul3A_433 = arith.muli %mul3A_432, %scan3A_338 : i32
        %add3A_434 = arith.constant 1 : i32
        %add3A_435 = arith.addi %mul3A_433, %add3A_434 : i32
        %mul3A_436 = arith.constant 2 : i32
        %mul3A_437 = arith.muli %mul3A_436, %scan3A_338 : i32
        %add3A_438 = arith.constant 0 : i32
        %add3A_439 = arith.addi %add3A_438, %mul3A_437 : i32
        %add3A_440 = arith.constant 1 : i32
        %add3A_441 = arith.addi %add3A_439, %add3A_440 : i32
        %get3A_442 = arith.index_cast %add3A_441 : i32 to index
        %get3A_443 = arith.constant 16 : index
        %get3A_444 = tpu.vector_load %arg7[%get3A_442, %get3A_443] {strides = array<i32>} : memref<200x64xf32, #tpu.memory_space<vmem>>, vector<1x16xf32>,
        %get3A_445 = vector.shape_cast %get3A_444 : vector<1x16xf32> to vector<16xf32>
        %swap3A_446 = arith.index_cast %add3A_435 : i32 to index
        %swap3A_447 = arith.constant 16 : index
        %swap3A_448 = tpu.vector_load %arg12[%swap3A_446, %swap3A_447] {strides = array<i32>} : memref<100x64xf32, #tpu.memory_space<vmem>>, vector<1x16xf32>,
        %swap3A_449 = vector.shape_cast %swap3A_448 : vector<1x16xf32> to vector<16xf32>
        %swap3A_450 = vector.shape_cast %get3A_445 : vector<16xf32> to vector<1x16xf32>
        tpu.vector_store %arg12[%swap3A_446, %swap3A_447], %swap3A_450 {add = true, strides = array<i32>} : memref<100x64xf32, #tpu.memory_space<vmem>>, vector<1x16xf32>,
        %mul3A_451 = arith.constant 2 : i32
        %mul3A_452 = arith.muli %mul3A_451, %scan3A_338 : i32
        %add3A_453 = arith.constant 1 : i32
        %add3A_454 = arith.addi %mul3A_452, %add3A_453 : i32
        %mul3A_455 = arith.constant 2 : i32
        %mul3A_456 = arith.muli %mul3A_455, %scan3A_338 : i32
        %add3A_457 = arith.constant 0 : i32
        %add3A_458 = arith.addi %add3A_457, %mul3A_456 : i32
        %add3A_459 = arith.constant 1 : i32
        %add3A_460 = arith.addi %add3A_458, %add3A_459 : i32
        %get3A_461 = arith.index_cast %add3A_460 : i32 to index
        %get3A_462 = arith.constant 32 : index
        %get3A_463 = tpu.vector_load %arg7[%get3A_461, %get3A_462] {strides = array<i32>} : memref<200x64xf32, #tpu.memory_space<vmem>>, vector<1x16xf32>,
        %get3A_464 = vector.shape_cast %get3A_463 : vector<1x16xf32> to vector<16xf32>
        %swap3A_465 = arith.index_cast %add3A_454 : i32 to index
        %swap3A_466 = arith.constant 32 : index
        %swap3A_467 = tpu.vector_load %arg12[%swap3A_465, %swap3A_466] {strides = array<i32>} : memref<100x64xf32, #tpu.memory_space<vmem>>, vector<1x16xf32>,
        %swap3A_468 = vector.shape_cast %swap3A_467 : vector<1x16xf32> to vector<16xf32>
        %swap3A_469 = vector.shape_cast %get3A_464 : vector<16xf32> to vector<1x16xf32>
        tpu.vector_store %arg12[%swap3A_465, %swap3A_466], %swap3A_469 {add = true, strides = array<i32>} : memref<100x64xf32, #tpu.memory_space<vmem>>, vector<1x16xf32>,
        %mul3A_470 = arith.constant 2 : i32
        %mul3A_471 = arith.muli %mul3A_470, %scan3A_338 : i32
        %add3A_472 = arith.constant 1 : i32
        %add3A_473 = arith.addi %mul3A_471, %add3A_472 : i32
        %mul3A_474 = arith.constant 2 : i32
        %mul3A_475 = arith.muli %mul3A_474, %scan3A_338 : i32
        %add3A_476 = arith.constant 0 : i32
        %add3A_477 = arith.addi %add3A_476, %mul3A_475 : i32
        %add3A_478 = arith.constant 1 : i32
        %add3A_479 = arith.addi %add3A_477, %add3A_478 : i32
        %get3A_480 = arith.index_cast %add3A_479 : i32 to index
        %get3A_481 = arith.constant 48 : index
        %get3A_482 = tpu.vector_load %arg7[%get3A_480, %get3A_481] {strides = array<i32>} : memref<200x64xf32, #tpu.memory_space<vmem>>, vector<1x16xf32>,
        %get3A_483 = vector.shape_cast %get3A_482 : vector<1x16xf32> to vector<16xf32>
        %swap3A_484 = arith.index_cast %add3A_473 : i32 to index
        %swap3A_485 = arith.constant 48 : index
        %swap3A_486 = tpu.vector_load %arg12[%swap3A_484, %swap3A_485] {strides = array<i32>} : memref<100x64xf32, #tpu.memory_space<vmem>>, vector<1x16xf32>,
        %swap3A_487 = vector.shape_cast %swap3A_486 : vector<1x16xf32> to vector<16xf32>
        %swap3A_488 = vector.shape_cast %get3A_483 : vector<16xf32> to vector<1x16xf32>
        tpu.vector_store %arg12[%swap3A_484, %swap3A_485], %swap3A_488 {add = true, strides = array<i32>} : memref<100x64xf32, #tpu.memory_space<vmem>>, vector<1x16xf32>,
      }
      %scan3A_235 = arith.constant 50 : i32
      %mul3A_236 = arith.constant 100 : i32
      %mul3A_237 = arith.muli %add3A_223, %mul3A_236 : i32
      %add3A_238 = arith.addi %mul3A_2, %mul3A_237 : i32
      %multiple_of3A_239 = tpu.assume_multiple %add3A_238, 4 : i32
      %dma_start3A_240 = arith.constant 0 : i32
      %dma_start3A_241 = tpu.memref_slice %arg5[%multiple_of3A_239, %dma_start3A_240] : memref<819200x64xf32, #tpu.memory_space<hbm>> -> memref<100x64xf32, #tpu.memory_space<hbm>>
      %dma_start3A_242 = arith.constant 0 : i32
      %dma_start3A_243 = tpu.memref_slice %arg5[%multiple_of3A_239, %dma_start3A_242] : memref<819200x64xf32, #tpu.memory_space<hbm>> -> memref<100x64xf32, #tpu.memory_space<hbm>>
      tpu.enqueue_dma source(%arg12 : memref<100x64xf32, #tpu.memory_space<vmem>>) target(%dma_start3A_243 : memref<100x64xf32, #tpu.memory_space<hbm>>) target_semaphore(%arg28 : memref<!tpu.dma_semaphore, #tpu.memory_space<semaphore_mem>>)
      %add3A_244 = arith.constant 6 : i32
      %add3A_245 = arith.addi %add3A_223, %add3A_244 : i32
      %lt3A_246 = arith.constant 256 : i32
      %lt3A_247 = arith.cmpi slt, %add3A_245, %lt3A_246 : i32
      %convert_element_type3A_248 = arith.extui %lt3A_247 : i1 to i32
      %cond3A_249 = arith.constant 0 : i32
      %cond3A_250 = arith.cmpi ne, %convert_element_type3A_248, %cond3A_249 : i32
      scf.if %cond3A_250 {
        %sub3A = arith.constant 8 : i32
        %sub3A_338 = arith.subi %add3A_245, %sub3A : i32
        %mul3A_339 = arith.constant 100 : i32
        %mul3A_340 = arith.muli %sub3A_338, %mul3A_339 : i32
        %add3A_341 = arith.addi %mul3A_2, %mul3A_340 : i32
        %multiple_of3A_342 = tpu.assume_multiple %add3A_341, 4 : i32
        %dma_wait3A_343 = arith.constant 0 : i32
        %dma_wait3A_344 = tpu.memref_slice %arg5[%multiple_of3A_342, %dma_wait3A_343] : memref<819200x64xf32, #tpu.memory_space<hbm>> -> memref<100x64xf32, #tpu.memory_space<hbm>>
        %dma_wait3A_345 = arith.constant 0 : i32
        %dma_wait3A_346 = tpu.memref_slice %arg5[%multiple_of3A_342, %dma_wait3A_345] : memref<819200x64xf32, #tpu.memory_space<hbm>> -> memref<100x64xf32, #tpu.memory_space<hbm>>
        tpu.wait_dma2 semaphore(%arg26 : memref<!tpu.dma_semaphore, #tpu.memory_space<semaphore_mem>>) src(%arg10 : memref<100x64xf32, #tpu.memory_space<vmem>>) dst(%dma_wait3A_346 : memref<100x64xf32, #tpu.memory_space<hbm>>)
        %dma_start3A_347 = arith.constant 0 : i32
        %dma_start3A_348 = tpu.memref_slice %arg6[%add3A_245, %dma_start3A_347] : memref<256x100xi32, #tpu.memory_space<vmem>> -> memref<1x100xi32, #tpu.memory_space<vmem>>
        %dma_start3A_349 = tpu.memref_squeeze %dma_start3A_348 : memref<1x100xi32, #tpu.memory_space<vmem>> -> memref<100xi32, #tpu.memory_space<vmem>>
        %dma_start3A_350 = arith.constant 0 : i32
        %dma_start3A_351 = arith.constant 0 : i32
        %dma_start3A_352 = tpu.memref_slice %arg2[%dma_start3A_350, %dma_start3A_351] : memref<1000000x64xf32, #tpu.memory_space<hbm>> -> memref<1000000x64xf32, #tpu.memory_space<hbm>>
        tpu.enqueue_indirect_dma source(%dma_start3A_352 : memref<1000000x64xf32, #tpu.memory_space<hbm>>) target(%arg10 : memref<100x64xf32, #tpu.memory_space<vmem>>) offsets(%dma_start3A_349 : memref<100xi32, #tpu.memory_space<vmem>>) semaphore(%arg18 : memref<!tpu.dma_semaphore, #tpu.memory_space<semaphore_mem>>)
      } else {
      }
      %add3A_251 = arith.constant 5 : i32
      %add3A_252 = arith.addi %mul3A_108, %add3A_251 : i32
      %dma_wait3A_253 = arith.constant 0 : i32
      %dma_wait3A_254 = arith.constant 0 : i32
      %dma_wait3A_255 = tpu.memref_slice %arg2[%dma_wait3A_253, %dma_wait3A_254] : memref<1000000x64xf32, #tpu.memory_space<hbm>> -> memref<100x64xf32, #tpu.memory_space<hbm>>
      %dma_wait3A_256 = arith.constant 0 : i32
      %dma_wait3A_257 = arith.constant 0 : i32
      %dma_wait3A_258 = tpu.memref_slice %arg2[%dma_wait3A_256, %dma_wait3A_257] : memref<1000000x64xf32, #tpu.memory_space<hbm>> -> memref<100x64xf32, #tpu.memory_space<hbm>>
      tpu.wait_dma2 semaphore(%arg21 : memref<!tpu.dma_semaphore, #tpu.memory_space<semaphore_mem>>) src(%dma_wait3A_258 : memref<100x64xf32, #tpu.memory_space<hbm>>) dst(%arg13 : memref<100x64xf32, #tpu.memory_space<vmem>>)
      %scan3A_259 = arith.constant 0 : i32
      %scan3A_260 = arith.constant 0 : i32
      %scan3A_261 = arith.constant 50 : i32
      %scan3A_262 = arith.addi %scan3A_260, %scan3A_261 : i32
      %scan3A_263 = arith.constant 1 : i32
      scf.for %scan3A_338 = %scan3A_260 to %scan3A_262 step %scan3A_263  : i32 {
        %mul3A_339 = arith.constant 2 : i32
        %mul3A_340 = arith.muli %mul3A_339, %scan3A_338 : i32
        %add3A_341 = arith.constant 0 : i32
        %add3A_342 = arith.addi %mul3A_340, %add3A_341 : i32
        %mul3A_343 = arith.constant 2 : i32
        %mul3A_344 = arith.muli %mul3A_343, %scan3A_338 : i32
        %add3A_345 = arith.constant 100 : i32
        %add3A_346 = arith.addi %add3A_345, %mul3A_344 : i32
        %add3A_347 = arith.constant 0 : i32
        %add3A_348 = arith.addi %add3A_346, %add3A_347 : i32
        %get3A = arith.index_cast %add3A_348 : i32 to index
        %get3A_349 = arith.constant 0 : index
        %get3A_350 = tpu.vector_load %arg7[%get3A, %get3A_349] {strides = array<i32>} : memref<200x64xf32, #tpu.memory_space<vmem>>, vector<1x16xf32>,
        %get3A_351 = vector.shape_cast %get3A_350 : vector<1x16xf32> to vector<16xf32>
        %swap3A = arith.index_cast %add3A_342 : i32 to index
        %swap3A_352 = arith.constant 0 : index
        %swap3A_353 = tpu.vector_load %arg13[%swap3A, %swap3A_352] {strides = array<i32>} : memref<100x64xf32, #tpu.memory_space<vmem>>, vector<1x16xf32>,
        %swap3A_354 = vector.shape_cast %swap3A_353 : vector<1x16xf32> to vector<16xf32>
        %swap3A_355 = vector.shape_cast %get3A_351 : vector<16xf32> to vector<1x16xf32>
        tpu.vector_store %arg13[%swap3A, %swap3A_352], %swap3A_355 {add = true, strides = array<i32>} : memref<100x64xf32, #tpu.memory_space<vmem>>, vector<1x16xf32>,
        %mul3A_356 = arith.constant 2 : i32
        %mul3A_357 = arith.muli %mul3A_356, %scan3A_338 : i32
        %add3A_358 = arith.constant 0 : i32
        %add3A_359 = arith.addi %mul3A_357, %add3A_358 : i32
        %mul3A_360 = arith.constant 2 : i32
        %mul3A_361 = arith.muli %mul3A_360, %scan3A_338 : i32
        %add3A_362 = arith.constant 100 : i32
        %add3A_363 = arith.addi %add3A_362, %mul3A_361 : i32
        %add3A_364 = arith.constant 0 : i32
        %add3A_365 = arith.addi %add3A_363, %add3A_364 : i32
        %get3A_366 = arith.index_cast %add3A_365 : i32 to index
        %get3A_367 = arith.constant 16 : index
        %get3A_368 = tpu.vector_load %arg7[%get3A_366, %get3A_367] {strides = array<i32>} : memref<200x64xf32, #tpu.memory_space<vmem>>, vector<1x16xf32>,
        %get3A_369 = vector.shape_cast %get3A_368 : vector<1x16xf32> to vector<16xf32>
        %swap3A_370 = arith.index_cast %add3A_359 : i32 to index
        %swap3A_371 = arith.constant 16 : index
        %swap3A_372 = tpu.vector_load %arg13[%swap3A_370, %swap3A_371] {strides = array<i32>} : memref<100x64xf32, #tpu.memory_space<vmem>>, vector<1x16xf32>,
        %swap3A_373 = vector.shape_cast %swap3A_372 : vector<1x16xf32> to vector<16xf32>
        %swap3A_374 = vector.shape_cast %get3A_369 : vector<16xf32> to vector<1x16xf32>
        tpu.vector_store %arg13[%swap3A_370, %swap3A_371], %swap3A_374 {add = true, strides = array<i32>} : memref<100x64xf32, #tpu.memory_space<vmem>>, vector<1x16xf32>,
        %mul3A_375 = arith.constant 2 : i32
        %mul3A_376 = arith.muli %mul3A_375, %scan3A_338 : i32
        %add3A_377 = arith.constant 0 : i32
        %add3A_378 = arith.addi %mul3A_376, %add3A_377 : i32
        %mul3A_379 = arith.constant 2 : i32
        %mul3A_380 = arith.muli %mul3A_379, %scan3A_338 : i32
        %add3A_381 = arith.constant 100 : i32
        %add3A_382 = arith.addi %add3A_381, %mul3A_380 : i32
        %add3A_383 = arith.constant 0 : i32
        %add3A_384 = arith.addi %add3A_382, %add3A_383 : i32
        %get3A_385 = arith.index_cast %add3A_384 : i32 to index
        %get3A_386 = arith.constant 32 : index
        %get3A_387 = tpu.vector_load %arg7[%get3A_385, %get3A_386] {strides = array<i32>} : memref<200x64xf32, #tpu.memory_space<vmem>>, vector<1x16xf32>,
        %get3A_388 = vector.shape_cast %get3A_387 : vector<1x16xf32> to vector<16xf32>
        %swap3A_389 = arith.index_cast %add3A_378 : i32 to index
        %swap3A_390 = arith.constant 32 : index
        %swap3A_391 = tpu.vector_load %arg13[%swap3A_389, %swap3A_390] {strides = array<i32>} : memref<100x64xf32, #tpu.memory_space<vmem>>, vector<1x16xf32>,
        %swap3A_392 = vector.shape_cast %swap3A_391 : vector<1x16xf32> to vector<16xf32>
        %swap3A_393 = vector.shape_cast %get3A_388 : vector<16xf32> to vector<1x16xf32>
        tpu.vector_store %arg13[%swap3A_389, %swap3A_390], %swap3A_393 {add = true, strides = array<i32>} : memref<100x64xf32, #tpu.memory_space<vmem>>, vector<1x16xf32>,
        %mul3A_394 = arith.constant 2 : i32
        %mul3A_395 = arith.muli %mul3A_394, %scan3A_338 : i32
        %add3A_396 = arith.constant 0 : i32
        %add3A_397 = arith.addi %mul3A_395, %add3A_396 : i32
        %mul3A_398 = arith.constant 2 : i32
        %mul3A_399 = arith.muli %mul3A_398, %scan3A_338 : i32
        %add3A_400 = arith.constant 100 : i32
        %add3A_401 = arith.addi %add3A_400, %mul3A_399 : i32
        %add3A_402 = arith.constant 0 : i32
        %add3A_403 = arith.addi %add3A_401, %add3A_402 : i32
        %get3A_404 = arith.index_cast %add3A_403 : i32 to index
        %get3A_405 = arith.constant 48 : index
        %get3A_406 = tpu.vector_load %arg7[%get3A_404, %get3A_405] {strides = array<i32>} : memref<200x64xf32, #tpu.memory_space<vmem>>, vector<1x16xf32>,
        %get3A_407 = vector.shape_cast %get3A_406 : vector<1x16xf32> to vector<16xf32>
        %swap3A_408 = arith.index_cast %add3A_397 : i32 to index
        %swap3A_409 = arith.constant 48 : index
        %swap3A_410 = tpu.vector_load %arg13[%swap3A_408, %swap3A_409] {strides = array<i32>} : memref<100x64xf32, #tpu.memory_space<vmem>>, vector<1x16xf32>,
        %swap3A_411 = vector.shape_cast %swap3A_410 : vector<1x16xf32> to vector<16xf32>
        %swap3A_412 = vector.shape_cast %get3A_407 : vector<16xf32> to vector<1x16xf32>
        tpu.vector_store %arg13[%swap3A_408, %swap3A_409], %swap3A_412 {add = true, strides = array<i32>} : memref<100x64xf32, #tpu.memory_space<vmem>>, vector<1x16xf32>,
        %mul3A_413 = arith.constant 2 : i32
        %mul3A_414 = arith.muli %mul3A_413, %scan3A_338 : i32
        %add3A_415 = arith.constant 1 : i32
        %add3A_416 = arith.addi %mul3A_414, %add3A_415 : i32
        %mul3A_417 = arith.constant 2 : i32
        %mul3A_418 = arith.muli %mul3A_417, %scan3A_338 : i32
        %add3A_419 = arith.constant 100 : i32
        %add3A_420 = arith.addi %add3A_419, %mul3A_418 : i32
        %add3A_421 = arith.constant 1 : i32
        %add3A_422 = arith.addi %add3A_420, %add3A_421 : i32
        %get3A_423 = arith.index_cast %add3A_422 : i32 to index
        %get3A_424 = arith.constant 0 : index
        %get3A_425 = tpu.vector_load %arg7[%get3A_423, %get3A_424] {strides = array<i32>} : memref<200x64xf32, #tpu.memory_space<vmem>>, vector<1x16xf32>,
        %get3A_426 = vector.shape_cast %get3A_425 : vector<1x16xf32> to vector<16xf32>
        %swap3A_427 = arith.index_cast %add3A_416 : i32 to index
        %swap3A_428 = arith.constant 0 : index
        %swap3A_429 = tpu.vector_load %arg13[%swap3A_427, %swap3A_428] {strides = array<i32>} : memref<100x64xf32, #tpu.memory_space<vmem>>, vector<1x16xf32>,
        %swap3A_430 = vector.shape_cast %swap3A_429 : vector<1x16xf32> to vector<16xf32>
        %swap3A_431 = vector.shape_cast %get3A_426 : vector<16xf32> to vector<1x16xf32>
        tpu.vector_store %arg13[%swap3A_427, %swap3A_428], %swap3A_431 {add = true, strides = array<i32>} : memref<100x64xf32, #tpu.memory_space<vmem>>, vector<1x16xf32>,
        %mul3A_432 = arith.constant 2 : i32
        %mul3A_433 = arith.muli %mul3A_432, %scan3A_338 : i32
        %add3A_434 = arith.constant 1 : i32
        %add3A_435 = arith.addi %mul3A_433, %add3A_434 : i32
        %mul3A_436 = arith.constant 2 : i32
        %mul3A_437 = arith.muli %mul3A_436, %scan3A_338 : i32
        %add3A_438 = arith.constant 100 : i32
        %add3A_439 = arith.addi %add3A_438, %mul3A_437 : i32
        %add3A_440 = arith.constant 1 : i32
        %add3A_441 = arith.addi %add3A_439, %add3A_440 : i32
        %get3A_442 = arith.index_cast %add3A_441 : i32 to index
        %get3A_443 = arith.constant 16 : index
        %get3A_444 = tpu.vector_load %arg7[%get3A_442, %get3A_443] {strides = array<i32>} : memref<200x64xf32, #tpu.memory_space<vmem>>, vector<1x16xf32>,
        %get3A_445 = vector.shape_cast %get3A_444 : vector<1x16xf32> to vector<16xf32>
        %swap3A_446 = arith.index_cast %add3A_435 : i32 to index
        %swap3A_447 = arith.constant 16 : index
        %swap3A_448 = tpu.vector_load %arg13[%swap3A_446, %swap3A_447] {strides = array<i32>} : memref<100x64xf32, #tpu.memory_space<vmem>>, vector<1x16xf32>,
        %swap3A_449 = vector.shape_cast %swap3A_448 : vector<1x16xf32> to vector<16xf32>
        %swap3A_450 = vector.shape_cast %get3A_445 : vector<16xf32> to vector<1x16xf32>
        tpu.vector_store %arg13[%swap3A_446, %swap3A_447], %swap3A_450 {add = true, strides = array<i32>} : memref<100x64xf32, #tpu.memory_space<vmem>>, vector<1x16xf32>,
        %mul3A_451 = arith.constant 2 : i32
        %mul3A_452 = arith.muli %mul3A_451, %scan3A_338 : i32
        %add3A_453 = arith.constant 1 : i32
        %add3A_454 = arith.addi %mul3A_452, %add3A_453 : i32
        %mul3A_455 = arith.constant 2 : i32
        %mul3A_456 = arith.muli %mul3A_455, %scan3A_338 : i32
        %add3A_457 = arith.constant 100 : i32
        %add3A_458 = arith.addi %add3A_457, %mul3A_456 : i32
        %add3A_459 = arith.constant 1 : i32
        %add3A_460 = arith.addi %add3A_458, %add3A_459 : i32
        %get3A_461 = arith.index_cast %add3A_460 : i32 to index
        %get3A_462 = arith.constant 32 : index
        %get3A_463 = tpu.vector_load %arg7[%get3A_461, %get3A_462] {strides = array<i32>} : memref<200x64xf32, #tpu.memory_space<vmem>>, vector<1x16xf32>,
        %get3A_464 = vector.shape_cast %get3A_463 : vector<1x16xf32> to vector<16xf32>
        %swap3A_465 = arith.index_cast %add3A_454 : i32 to index
        %swap3A_466 = arith.constant 32 : index
        %swap3A_467 = tpu.vector_load %arg13[%swap3A_465, %swap3A_466] {strides = array<i32>} : memref<100x64xf32, #tpu.memory_space<vmem>>, vector<1x16xf32>,
        %swap3A_468 = vector.shape_cast %swap3A_467 : vector<1x16xf32> to vector<16xf32>
        %swap3A_469 = vector.shape_cast %get3A_464 : vector<16xf32> to vector<1x16xf32>
        tpu.vector_store %arg13[%swap3A_465, %swap3A_466], %swap3A_469 {add = true, strides = array<i32>} : memref<100x64xf32, #tpu.memory_space<vmem>>, vector<1x16xf32>,
        %mul3A_470 = arith.constant 2 : i32
        %mul3A_471 = arith.muli %mul3A_470, %scan3A_338 : i32
        %add3A_472 = arith.constant 1 : i32
        %add3A_473 = arith.addi %mul3A_471, %add3A_472 : i32
        %mul3A_474 = arith.constant 2 : i32
        %mul3A_475 = arith.muli %mul3A_474, %scan3A_338 : i32
        %add3A_476 = arith.constant 100 : i32
        %add3A_477 = arith.addi %add3A_476, %mul3A_475 : i32
        %add3A_478 = arith.constant 1 : i32
        %add3A_479 = arith.addi %add3A_477, %add3A_478 : i32
        %get3A_480 = arith.index_cast %add3A_479 : i32 to index
        %get3A_481 = arith.constant 48 : index
        %get3A_482 = tpu.vector_load %arg7[%get3A_480, %get3A_481] {strides = array<i32>} : memref<200x64xf32, #tpu.memory_space<vmem>>, vector<1x16xf32>,
        %get3A_483 = vector.shape_cast %get3A_482 : vector<1x16xf32> to vector<16xf32>
        %swap3A_484 = arith.index_cast %add3A_473 : i32 to index
        %swap3A_485 = arith.constant 48 : index
        %swap3A_486 = tpu.vector_load %arg13[%swap3A_484, %swap3A_485] {strides = array<i32>} : memref<100x64xf32, #tpu.memory_space<vmem>>, vector<1x16xf32>,
        %swap3A_487 = vector.shape_cast %swap3A_486 : vector<1x16xf32> to vector<16xf32>
        %swap3A_488 = vector.shape_cast %get3A_483 : vector<16xf32> to vector<1x16xf32>
        tpu.vector_store %arg13[%swap3A_484, %swap3A_485], %swap3A_488 {add = true, strides = array<i32>} : memref<100x64xf32, #tpu.memory_space<vmem>>, vector<1x16xf32>,
      }
      %scan3A_264 = arith.constant 50 : i32
      %mul3A_265 = arith.constant 100 : i32
      %mul3A_266 = arith.muli %add3A_252, %mul3A_265 : i32
      %add3A_267 = arith.addi %mul3A_2, %mul3A_266 : i32
      %multiple_of3A_268 = tpu.assume_multiple %add3A_267, 4 : i32
      %dma_start3A_269 = arith.constant 0 : i32
      %dma_start3A_270 = tpu.memref_slice %arg5[%multiple_of3A_268, %dma_start3A_269] : memref<819200x64xf32, #tpu.memory_space<hbm>> -> memref<100x64xf32, #tpu.memory_space<hbm>>
      %dma_start3A_271 = arith.constant 0 : i32
      %dma_start3A_272 = tpu.memref_slice %arg5[%multiple_of3A_268, %dma_start3A_271] : memref<819200x64xf32, #tpu.memory_space<hbm>> -> memref<100x64xf32, #tpu.memory_space<hbm>>
      tpu.enqueue_dma source(%arg13 : memref<100x64xf32, #tpu.memory_space<vmem>>) target(%dma_start3A_272 : memref<100x64xf32, #tpu.memory_space<hbm>>) target_semaphore(%arg29 : memref<!tpu.dma_semaphore, #tpu.memory_space<semaphore_mem>>)
      %add3A_273 = arith.constant 6 : i32
      %add3A_274 = arith.addi %add3A_252, %add3A_273 : i32
      %lt3A_275 = arith.constant 256 : i32
      %lt3A_276 = arith.cmpi slt, %add3A_274, %lt3A_275 : i32
      %convert_element_type3A_277 = arith.extui %lt3A_276 : i1 to i32
      %cond3A_278 = arith.constant 0 : i32
      %cond3A_279 = arith.cmpi ne, %convert_element_type3A_277, %cond3A_278 : i32
      scf.if %cond3A_279 {
        %sub3A = arith.constant 8 : i32
        %sub3A_338 = arith.subi %add3A_274, %sub3A : i32
        %mul3A_339 = arith.constant 100 : i32
        %mul3A_340 = arith.muli %sub3A_338, %mul3A_339 : i32
        %add3A_341 = arith.addi %mul3A_2, %mul3A_340 : i32
        %multiple_of3A_342 = tpu.assume_multiple %add3A_341, 4 : i32
        %dma_wait3A_343 = arith.constant 0 : i32
        %dma_wait3A_344 = tpu.memref_slice %arg5[%multiple_of3A_342, %dma_wait3A_343] : memref<819200x64xf32, #tpu.memory_space<hbm>> -> memref<100x64xf32, #tpu.memory_space<hbm>>
        %dma_wait3A_345 = arith.constant 0 : i32
        %dma_wait3A_346 = tpu.memref_slice %arg5[%multiple_of3A_342, %dma_wait3A_345] : memref<819200x64xf32, #tpu.memory_space<hbm>> -> memref<100x64xf32, #tpu.memory_space<hbm>>
        tpu.wait_dma2 semaphore(%arg27 : memref<!tpu.dma_semaphore, #tpu.memory_space<semaphore_mem>>) src(%arg11 : memref<100x64xf32, #tpu.memory_space<vmem>>) dst(%dma_wait3A_346 : memref<100x64xf32, #tpu.memory_space<hbm>>)
        %dma_start3A_347 = arith.constant 0 : i32
        %dma_start3A_348 = tpu.memref_slice %arg6[%add3A_274, %dma_start3A_347] : memref<256x100xi32, #tpu.memory_space<vmem>> -> memref<1x100xi32, #tpu.memory_space<vmem>>
        %dma_start3A_349 = tpu.memref_squeeze %dma_start3A_348 : memref<1x100xi32, #tpu.memory_space<vmem>> -> memref<100xi32, #tpu.memory_space<vmem>>
        %dma_start3A_350 = arith.constant 0 : i32
        %dma_start3A_351 = arith.constant 0 : i32
        %dma_start3A_352 = tpu.memref_slice %arg2[%dma_start3A_350, %dma_start3A_351] : memref<1000000x64xf32, #tpu.memory_space<hbm>> -> memref<1000000x64xf32, #tpu.memory_space<hbm>>
        tpu.enqueue_indirect_dma source(%dma_start3A_352 : memref<1000000x64xf32, #tpu.memory_space<hbm>>) target(%arg11 : memref<100x64xf32, #tpu.memory_space<vmem>>) offsets(%dma_start3A_349 : memref<100xi32, #tpu.memory_space<vmem>>) semaphore(%arg19 : memref<!tpu.dma_semaphore, #tpu.memory_space<semaphore_mem>>)
      } else {
      }
      %add3A_280 = arith.constant 6 : i32
      %add3A_281 = arith.addi %mul3A_108, %add3A_280 : i32
      %dma_wait3A_282 = arith.constant 0 : i32
      %dma_wait3A_283 = arith.constant 0 : i32
      %dma_wait3A_284 = tpu.memref_slice %arg2[%dma_wait3A_282, %dma_wait3A_283] : memref<1000000x64xf32, #tpu.memory_space<hbm>> -> memref<100x64xf32, #tpu.memory_space<hbm>>
      %dma_wait3A_285 = arith.constant 0 : i32
      %dma_wait3A_286 = arith.constant 0 : i32
      %dma_wait3A_287 = tpu.memref_slice %arg2[%dma_wait3A_285, %dma_wait3A_286] : memref<1000000x64xf32, #tpu.memory_space<hbm>> -> memref<100x64xf32, #tpu.memory_space<hbm>>
      tpu.wait_dma2 semaphore(%arg22 : memref<!tpu.dma_semaphore, #tpu.memory_space<semaphore_mem>>) src(%dma_wait3A_287 : memref<100x64xf32, #tpu.memory_space<hbm>>) dst(%arg14 : memref<100x64xf32, #tpu.memory_space<vmem>>)
      %scan3A_288 = arith.constant 0 : i32
      %scan3A_289 = arith.constant 0 : i32
      %scan3A_290 = arith.constant 50 : i32
      %scan3A_291 = arith.addi %scan3A_289, %scan3A_290 : i32
      %scan3A_292 = arith.constant 1 : i32
      scf.for %scan3A_338 = %scan3A_289 to %scan3A_291 step %scan3A_292  : i32 {
        %mul3A_339 = arith.constant 2 : i32
        %mul3A_340 = arith.muli %mul3A_339, %scan3A_338 : i32
        %add3A_341 = arith.constant 0 : i32
        %add3A_342 = arith.addi %mul3A_340, %add3A_341 : i32
        %mul3A_343 = arith.constant 2 : i32
        %mul3A_344 = arith.muli %mul3A_343, %scan3A_338 : i32
        %add3A_345 = arith.constant 0 : i32
        %add3A_346 = arith.addi %add3A_345, %mul3A_344 : i32
        %add3A_347 = arith.constant 0 : i32
        %add3A_348 = arith.addi %add3A_346, %add3A_347 : i32
        %get3A = arith.index_cast %add3A_348 : i32 to index
        %get3A_349 = arith.constant 0 : index
        %get3A_350 = tpu.vector_load %arg7[%get3A, %get3A_349] {strides = array<i32>} : memref<200x64xf32, #tpu.memory_space<vmem>>, vector<1x16xf32>,
        %get3A_351 = vector.shape_cast %get3A_350 : vector<1x16xf32> to vector<16xf32>
        %swap3A = arith.index_cast %add3A_342 : i32 to index
        %swap3A_352 = arith.constant 0 : index
        %swap3A_353 = tpu.vector_load %arg14[%swap3A, %swap3A_352] {strides = array<i32>} : memref<100x64xf32, #tpu.memory_space<vmem>>, vector<1x16xf32>,
        %swap3A_354 = vector.shape_cast %swap3A_353 : vector<1x16xf32> to vector<16xf32>
        %swap3A_355 = vector.shape_cast %get3A_351 : vector<16xf32> to vector<1x16xf32>
        tpu.vector_store %arg14[%swap3A, %swap3A_352], %swap3A_355 {add = true, strides = array<i32>} : memref<100x64xf32, #tpu.memory_space<vmem>>, vector<1x16xf32>,
        %mul3A_356 = arith.constant 2 : i32
        %mul3A_357 = arith.muli %mul3A_356, %scan3A_338 : i32
        %add3A_358 = arith.constant 0 : i32
        %add3A_359 = arith.addi %mul3A_357, %add3A_358 : i32
        %mul3A_360 = arith.constant 2 : i32
        %mul3A_361 = arith.muli %mul3A_360, %scan3A_338 : i32
        %add3A_362 = arith.constant 0 : i32
        %add3A_363 = arith.addi %add3A_362, %mul3A_361 : i32
        %add3A_364 = arith.constant 0 : i32
        %add3A_365 = arith.addi %add3A_363, %add3A_364 : i32
        %get3A_366 = arith.index_cast %add3A_365 : i32 to index
        %get3A_367 = arith.constant 16 : index
        %get3A_368 = tpu.vector_load %arg7[%get3A_366, %get3A_367] {strides = array<i32>} : memref<200x64xf32, #tpu.memory_space<vmem>>, vector<1x16xf32>,
        %get3A_369 = vector.shape_cast %get3A_368 : vector<1x16xf32> to vector<16xf32>
        %swap3A_370 = arith.index_cast %add3A_359 : i32 to index
        %swap3A_371 = arith.constant 16 : index
        %swap3A_372 = tpu.vector_load %arg14[%swap3A_370, %swap3A_371] {strides = array<i32>} : memref<100x64xf32, #tpu.memory_space<vmem>>, vector<1x16xf32>,
        %swap3A_373 = vector.shape_cast %swap3A_372 : vector<1x16xf32> to vector<16xf32>
        %swap3A_374 = vector.shape_cast %get3A_369 : vector<16xf32> to vector<1x16xf32>
        tpu.vector_store %arg14[%swap3A_370, %swap3A_371], %swap3A_374 {add = true, strides = array<i32>} : memref<100x64xf32, #tpu.memory_space<vmem>>, vector<1x16xf32>,
        %mul3A_375 = arith.constant 2 : i32
        %mul3A_376 = arith.muli %mul3A_375, %scan3A_338 : i32
        %add3A_377 = arith.constant 0 : i32
        %add3A_378 = arith.addi %mul3A_376, %add3A_377 : i32
        %mul3A_379 = arith.constant 2 : i32
        %mul3A_380 = arith.muli %mul3A_379, %scan3A_338 : i32
        %add3A_381 = arith.constant 0 : i32
        %add3A_382 = arith.addi %add3A_381, %mul3A_380 : i32
        %add3A_383 = arith.constant 0 : i32
        %add3A_384 = arith.addi %add3A_382, %add3A_383 : i32
        %get3A_385 = arith.index_cast %add3A_384 : i32 to index
        %get3A_386 = arith.constant 32 : index
        %get3A_387 = tpu.vector_load %arg7[%get3A_385, %get3A_386] {strides = array<i32>} : memref<200x64xf32, #tpu.memory_space<vmem>>, vector<1x16xf32>,
        %get3A_388 = vector.shape_cast %get3A_387 : vector<1x16xf32> to vector<16xf32>
        %swap3A_389 = arith.index_cast %add3A_378 : i32 to index
        %swap3A_390 = arith.constant 32 : index
        %swap3A_391 = tpu.vector_load %arg14[%swap3A_389, %swap3A_390] {strides = array<i32>} : memref<100x64xf32, #tpu.memory_space<vmem>>, vector<1x16xf32>,
        %swap3A_392 = vector.shape_cast %swap3A_391 : vector<1x16xf32> to vector<16xf32>
        %swap3A_393 = vector.shape_cast %get3A_388 : vector<16xf32> to vector<1x16xf32>
        tpu.vector_store %arg14[%swap3A_389, %swap3A_390], %swap3A_393 {add = true, strides = array<i32>} : memref<100x64xf32, #tpu.memory_space<vmem>>, vector<1x16xf32>,
        %mul3A_394 = arith.constant 2 : i32
        %mul3A_395 = arith.muli %mul3A_394, %scan3A_338 : i32
        %add3A_396 = arith.constant 0 : i32
        %add3A_397 = arith.addi %mul3A_395, %add3A_396 : i32
        %mul3A_398 = arith.constant 2 : i32
        %mul3A_399 = arith.muli %mul3A_398, %scan3A_338 : i32
        %add3A_400 = arith.constant 0 : i32
        %add3A_401 = arith.addi %add3A_400, %mul3A_399 : i32
        %add3A_402 = arith.constant 0 : i32
        %add3A_403 = arith.addi %add3A_401, %add3A_402 : i32
        %get3A_404 = arith.index_cast %add3A_403 : i32 to index
        %get3A_405 = arith.constant 48 : index
        %get3A_406 = tpu.vector_load %arg7[%get3A_404, %get3A_405] {strides = array<i32>} : memref<200x64xf32, #tpu.memory_space<vmem>>, vector<1x16xf32>,
        %get3A_407 = vector.shape_cast %get3A_406 : vector<1x16xf32> to vector<16xf32>
        %swap3A_408 = arith.index_cast %add3A_397 : i32 to index
        %swap3A_409 = arith.constant 48 : index
        %swap3A_410 = tpu.vector_load %arg14[%swap3A_408, %swap3A_409] {strides = array<i32>} : memref<100x64xf32, #tpu.memory_space<vmem>>, vector<1x16xf32>,
        %swap3A_411 = vector.shape_cast %swap3A_410 : vector<1x16xf32> to vector<16xf32>
        %swap3A_412 = vector.shape_cast %get3A_407 : vector<16xf32> to vector<1x16xf32>
        tpu.vector_store %arg14[%swap3A_408, %swap3A_409], %swap3A_412 {add = true, strides = array<i32>} : memref<100x64xf32, #tpu.memory_space<vmem>>, vector<1x16xf32>,
        %mul3A_413 = arith.constant 2 : i32
        %mul3A_414 = arith.muli %mul3A_413, %scan3A_338 : i32
        %add3A_415 = arith.constant 1 : i32
        %add3A_416 = arith.addi %mul3A_414, %add3A_415 : i32
        %mul3A_417 = arith.constant 2 : i32
        %mul3A_418 = arith.muli %mul3A_417, %scan3A_338 : i32
        %add3A_419 = arith.constant 0 : i32
        %add3A_420 = arith.addi %add3A_419, %mul3A_418 : i32
        %add3A_421 = arith.constant 1 : i32
        %add3A_422 = arith.addi %add3A_420, %add3A_421 : i32
        %get3A_423 = arith.index_cast %add3A_422 : i32 to index
        %get3A_424 = arith.constant 0 : index
        %get3A_425 = tpu.vector_load %arg7[%get3A_423, %get3A_424] {strides = array<i32>} : memref<200x64xf32, #tpu.memory_space<vmem>>, vector<1x16xf32>,
        %get3A_426 = vector.shape_cast %get3A_425 : vector<1x16xf32> to vector<16xf32>
        %swap3A_427 = arith.index_cast %add3A_416 : i32 to index
        %swap3A_428 = arith.constant 0 : index
        %swap3A_429 = tpu.vector_load %arg14[%swap3A_427, %swap3A_428] {strides = array<i32>} : memref<100x64xf32, #tpu.memory_space<vmem>>, vector<1x16xf32>,
        %swap3A_430 = vector.shape_cast %swap3A_429 : vector<1x16xf32> to vector<16xf32>
        %swap3A_431 = vector.shape_cast %get3A_426 : vector<16xf32> to vector<1x16xf32>
        tpu.vector_store %arg14[%swap3A_427, %swap3A_428], %swap3A_431 {add = true, strides = array<i32>} : memref<100x64xf32, #tpu.memory_space<vmem>>, vector<1x16xf32>,
        %mul3A_432 = arith.constant 2 : i32
        %mul3A_433 = arith.muli %mul3A_432, %scan3A_338 : i32
        %add3A_434 = arith.constant 1 : i32
        %add3A_435 = arith.addi %mul3A_433, %add3A_434 : i32
        %mul3A_436 = arith.constant 2 : i32
        %mul3A_437 = arith.muli %mul3A_436, %scan3A_338 : i32
        %add3A_438 = arith.constant 0 : i32
        %add3A_439 = arith.addi %add3A_438, %mul3A_437 : i32
        %add3A_440 = arith.constant 1 : i32
        %add3A_441 = arith.addi %add3A_439, %add3A_440 : i32
        %get3A_442 = arith.index_cast %add3A_441 : i32 to index
        %get3A_443 = arith.constant 16 : index
        %get3A_444 = tpu.vector_load %arg7[%get3A_442, %get3A_443] {strides = array<i32>} : memref<200x64xf32, #tpu.memory_space<vmem>>, vector<1x16xf32>,
        %get3A_445 = vector.shape_cast %get3A_444 : vector<1x16xf32> to vector<16xf32>
        %swap3A_446 = arith.index_cast %add3A_435 : i32 to index
        %swap3A_447 = arith.constant 16 : index
        %swap3A_448 = tpu.vector_load %arg14[%swap3A_446, %swap3A_447] {strides = array<i32>} : memref<100x64xf32, #tpu.memory_space<vmem>>, vector<1x16xf32>,
        %swap3A_449 = vector.shape_cast %swap3A_448 : vector<1x16xf32> to vector<16xf32>
        %swap3A_450 = vector.shape_cast %get3A_445 : vector<16xf32> to vector<1x16xf32>
        tpu.vector_store %arg14[%swap3A_446, %swap3A_447], %swap3A_450 {add = true, strides = array<i32>} : memref<100x64xf32, #tpu.memory_space<vmem>>, vector<1x16xf32>,
        %mul3A_451 = arith.constant 2 : i32
        %mul3A_452 = arith.muli %mul3A_451, %scan3A_338 : i32
        %add3A_453 = arith.constant 1 : i32
        %add3A_454 = arith.addi %mul3A_452, %add3A_453 : i32
        %mul3A_455 = arith.constant 2 : i32
        %mul3A_456 = arith.muli %mul3A_455, %scan3A_338 : i32
        %add3A_457 = arith.constant 0 : i32
        %add3A_458 = arith.addi %add3A_457, %mul3A_456 : i32
        %add3A_459 = arith.constant 1 : i32
        %add3A_460 = arith.addi %add3A_458, %add3A_459 : i32
        %get3A_461 = arith.index_cast %add3A_460 : i32 to index
        %get3A_462 = arith.constant 32 : index
        %get3A_463 = tpu.vector_load %arg7[%get3A_461, %get3A_462] {strides = array<i32>} : memref<200x64xf32, #tpu.memory_space<vmem>>, vector<1x16xf32>,
        %get3A_464 = vector.shape_cast %get3A_463 : vector<1x16xf32> to vector<16xf32>
        %swap3A_465 = arith.index_cast %add3A_454 : i32 to index
        %swap3A_466 = arith.constant 32 : index
        %swap3A_467 = tpu.vector_load %arg14[%swap3A_465, %swap3A_466] {strides = array<i32>} : memref<100x64xf32, #tpu.memory_space<vmem>>, vector<1x16xf32>,
        %swap3A_468 = vector.shape_cast %swap3A_467 : vector<1x16xf32> to vector<16xf32>
        %swap3A_469 = vector.shape_cast %get3A_464 : vector<16xf32> to vector<1x16xf32>
        tpu.vector_store %arg14[%swap3A_465, %swap3A_466], %swap3A_469 {add = true, strides = array<i32>} : memref<100x64xf32, #tpu.memory_space<vmem>>, vector<1x16xf32>,
        %mul3A_470 = arith.constant 2 : i32
        %mul3A_471 = arith.muli %mul3A_470, %scan3A_338 : i32
        %add3A_472 = arith.constant 1 : i32
        %add3A_473 = arith.addi %mul3A_471, %add3A_472 : i32
        %mul3A_474 = arith.constant 2 : i32
        %mul3A_475 = arith.muli %mul3A_474, %scan3A_338 : i32
        %add3A_476 = arith.constant 0 : i32
        %add3A_477 = arith.addi %add3A_476, %mul3A_475 : i32
        %add3A_478 = arith.constant 1 : i32
        %add3A_479 = arith.addi %add3A_477, %add3A_478 : i32
        %get3A_480 = arith.index_cast %add3A_479 : i32 to index
        %get3A_481 = arith.constant 48 : index
        %get3A_482 = tpu.vector_load %arg7[%get3A_480, %get3A_481] {strides = array<i32>} : memref<200x64xf32, #tpu.memory_space<vmem>>, vector<1x16xf32>,
        %get3A_483 = vector.shape_cast %get3A_482 : vector<1x16xf32> to vector<16xf32>
        %swap3A_484 = arith.index_cast %add3A_473 : i32 to index
        %swap3A_485 = arith.constant 48 : index
        %swap3A_486 = tpu.vector_load %arg14[%swap3A_484, %swap3A_485] {strides = array<i32>} : memref<100x64xf32, #tpu.memory_space<vmem>>, vector<1x16xf32>,
        %swap3A_487 = vector.shape_cast %swap3A_486 : vector<1x16xf32> to vector<16xf32>
        %swap3A_488 = vector.shape_cast %get3A_483 : vector<16xf32> to vector<1x16xf32>
        tpu.vector_store %arg14[%swap3A_484, %swap3A_485], %swap3A_488 {add = true, strides = array<i32>} : memref<100x64xf32, #tpu.memory_space<vmem>>, vector<1x16xf32>,
      }
      %scan3A_293 = arith.constant 50 : i32
      %mul3A_294 = arith.constant 100 : i32
      %mul3A_295 = arith.muli %add3A_281, %mul3A_294 : i32
      %add3A_296 = arith.addi %mul3A_2, %mul3A_295 : i32
      %multiple_of3A_297 = tpu.assume_multiple %add3A_296, 4 : i32
      %dma_start3A_298 = arith.constant 0 : i32
      %dma_start3A_299 = tpu.memref_slice %arg5[%multiple_of3A_297, %dma_start3A_298] : memref<819200x64xf32, #tpu.memory_space<hbm>> -> memref<100x64xf32, #tpu.memory_space<hbm>>
      %dma_start3A_300 = arith.constant 0 : i32
      %dma_start3A_301 = tpu.memref_slice %arg5[%multiple_of3A_297, %dma_start3A_300] : memref<819200x64xf32, #tpu.memory_space<hbm>> -> memref<100x64xf32, #tpu.memory_space<hbm>>
      tpu.enqueue_dma source(%arg14 : memref<100x64xf32, #tpu.memory_space<vmem>>) target(%dma_start3A_301 : memref<100x64xf32, #tpu.memory_space<hbm>>) target_semaphore(%arg30 : memref<!tpu.dma_semaphore, #tpu.memory_space<semaphore_mem>>)
      %add3A_302 = arith.constant 6 : i32
      %add3A_303 = arith.addi %add3A_281, %add3A_302 : i32
      %lt3A_304 = arith.constant 256 : i32
      %lt3A_305 = arith.cmpi slt, %add3A_303, %lt3A_304 : i32
      %convert_element_type3A_306 = arith.extui %lt3A_305 : i1 to i32
      %cond3A_307 = arith.constant 0 : i32
      %cond3A_308 = arith.cmpi ne, %convert_element_type3A_306, %cond3A_307 : i32
      scf.if %cond3A_308 {
        %sub3A = arith.constant 8 : i32
        %sub3A_338 = arith.subi %add3A_303, %sub3A : i32
        %mul3A_339 = arith.constant 100 : i32
        %mul3A_340 = arith.muli %sub3A_338, %mul3A_339 : i32
        %add3A_341 = arith.addi %mul3A_2, %mul3A_340 : i32
        %multiple_of3A_342 = tpu.assume_multiple %add3A_341, 4 : i32
        %dma_wait3A_343 = arith.constant 0 : i32
        %dma_wait3A_344 = tpu.memref_slice %arg5[%multiple_of3A_342, %dma_wait3A_343] : memref<819200x64xf32, #tpu.memory_space<hbm>> -> memref<100x64xf32, #tpu.memory_space<hbm>>
        %dma_wait3A_345 = arith.constant 0 : i32
        %dma_wait3A_346 = tpu.memref_slice %arg5[%multiple_of3A_342, %dma_wait3A_345] : memref<819200x64xf32, #tpu.memory_space<hbm>> -> memref<100x64xf32, #tpu.memory_space<hbm>>
        tpu.wait_dma2 semaphore(%arg28 : memref<!tpu.dma_semaphore, #tpu.memory_space<semaphore_mem>>) src(%arg12 : memref<100x64xf32, #tpu.memory_space<vmem>>) dst(%dma_wait3A_346 : memref<100x64xf32, #tpu.memory_space<hbm>>)
        %dma_start3A_347 = arith.constant 0 : i32
        %dma_start3A_348 = tpu.memref_slice %arg6[%add3A_303, %dma_start3A_347] : memref<256x100xi32, #tpu.memory_space<vmem>> -> memref<1x100xi32, #tpu.memory_space<vmem>>
        %dma_start3A_349 = tpu.memref_squeeze %dma_start3A_348 : memref<1x100xi32, #tpu.memory_space<vmem>> -> memref<100xi32, #tpu.memory_space<vmem>>
        %dma_start3A_350 = arith.constant 0 : i32
        %dma_start3A_351 = arith.constant 0 : i32
        %dma_start3A_352 = tpu.memref_slice %arg2[%dma_start3A_350, %dma_start3A_351] : memref<1000000x64xf32, #tpu.memory_space<hbm>> -> memref<1000000x64xf32, #tpu.memory_space<hbm>>
        tpu.enqueue_indirect_dma source(%dma_start3A_352 : memref<1000000x64xf32, #tpu.memory_space<hbm>>) target(%arg12 : memref<100x64xf32, #tpu.memory_space<vmem>>) offsets(%dma_start3A_349 : memref<100xi32, #tpu.memory_space<vmem>>) semaphore(%arg20 : memref<!tpu.dma_semaphore, #tpu.memory_space<semaphore_mem>>)
      } else {
      }
      %add3A_309 = arith.constant 7 : i32
      %add3A_310 = arith.addi %mul3A_108, %add3A_309 : i32
      %dma_wait3A_311 = arith.constant 0 : i32
      %dma_wait3A_312 = arith.constant 0 : i32
      %dma_wait3A_313 = tpu.memref_slice %arg2[%dma_wait3A_311, %dma_wait3A_312] : memref<1000000x64xf32, #tpu.memory_space<hbm>> -> memref<100x64xf32, #tpu.memory_space<hbm>>
      %dma_wait3A_314 = arith.constant 0 : i32
      %dma_wait3A_315 = arith.constant 0 : i32
      %dma_wait3A_316 = tpu.memref_slice %arg2[%dma_wait3A_314, %dma_wait3A_315] : memref<1000000x64xf32, #tpu.memory_space<hbm>> -> memref<100x64xf32, #tpu.memory_space<hbm>>
      tpu.wait_dma2 semaphore(%arg23 : memref<!tpu.dma_semaphore, #tpu.memory_space<semaphore_mem>>) src(%dma_wait3A_316 : memref<100x64xf32, #tpu.memory_space<hbm>>) dst(%arg15 : memref<100x64xf32, #tpu.memory_space<vmem>>)
      %scan3A_317 = arith.constant 0 : i32
      %scan3A_318 = arith.constant 0 : i32
      %scan3A_319 = arith.constant 50 : i32
      %scan3A_320 = arith.addi %scan3A_318, %scan3A_319 : i32
      %scan3A_321 = arith.constant 1 : i32
      scf.for %scan3A_338 = %scan3A_318 to %scan3A_320 step %scan3A_321  : i32 {
        %mul3A_339 = arith.constant 2 : i32
        %mul3A_340 = arith.muli %mul3A_339, %scan3A_338 : i32
        %add3A_341 = arith.constant 0 : i32
        %add3A_342 = arith.addi %mul3A_340, %add3A_341 : i32
        %mul3A_343 = arith.constant 2 : i32
        %mul3A_344 = arith.muli %mul3A_343, %scan3A_338 : i32
        %add3A_345 = arith.constant 100 : i32
        %add3A_346 = arith.addi %add3A_345, %mul3A_344 : i32
        %add3A_347 = arith.constant 0 : i32
        %add3A_348 = arith.addi %add3A_346, %add3A_347 : i32
        %get3A = arith.index_cast %add3A_348 : i32 to index
        %get3A_349 = arith.constant 0 : index
        %get3A_350 = tpu.vector_load %arg7[%get3A, %get3A_349] {strides = array<i32>} : memref<200x64xf32, #tpu.memory_space<vmem>>, vector<1x16xf32>,
        %get3A_351 = vector.shape_cast %get3A_350 : vector<1x16xf32> to vector<16xf32>
        %swap3A = arith.index_cast %add3A_342 : i32 to index
        %swap3A_352 = arith.constant 0 : index
        %swap3A_353 = tpu.vector_load %arg15[%swap3A, %swap3A_352] {strides = array<i32>} : memref<100x64xf32, #tpu.memory_space<vmem>>, vector<1x16xf32>,
        %swap3A_354 = vector.shape_cast %swap3A_353 : vector<1x16xf32> to vector<16xf32>
        %swap3A_355 = vector.shape_cast %get3A_351 : vector<16xf32> to vector<1x16xf32>
        tpu.vector_store %arg15[%swap3A, %swap3A_352], %swap3A_355 {add = true, strides = array<i32>} : memref<100x64xf32, #tpu.memory_space<vmem>>, vector<1x16xf32>,
        %mul3A_356 = arith.constant 2 : i32
        %mul3A_357 = arith.muli %mul3A_356, %scan3A_338 : i32
        %add3A_358 = arith.constant 0 : i32
        %add3A_359 = arith.addi %mul3A_357, %add3A_358 : i32
        %mul3A_360 = arith.constant 2 : i32
        %mul3A_361 = arith.muli %mul3A_360, %scan3A_338 : i32
        %add3A_362 = arith.constant 100 : i32
        %add3A_363 = arith.addi %add3A_362, %mul3A_361 : i32
        %add3A_364 = arith.constant 0 : i32
        %add3A_365 = arith.addi %add3A_363, %add3A_364 : i32
        %get3A_366 = arith.index_cast %add3A_365 : i32 to index
        %get3A_367 = arith.constant 16 : index
        %get3A_368 = tpu.vector_load %arg7[%get3A_366, %get3A_367] {strides = array<i32>} : memref<200x64xf32, #tpu.memory_space<vmem>>, vector<1x16xf32>,
        %get3A_369 = vector.shape_cast %get3A_368 : vector<1x16xf32> to vector<16xf32>
        %swap3A_370 = arith.index_cast %add3A_359 : i32 to index
        %swap3A_371 = arith.constant 16 : index
        %swap3A_372 = tpu.vector_load %arg15[%swap3A_370, %swap3A_371] {strides = array<i32>} : memref<100x64xf32, #tpu.memory_space<vmem>>, vector<1x16xf32>,
        %swap3A_373 = vector.shape_cast %swap3A_372 : vector<1x16xf32> to vector<16xf32>
        %swap3A_374 = vector.shape_cast %get3A_369 : vector<16xf32> to vector<1x16xf32>
        tpu.vector_store %arg15[%swap3A_370, %swap3A_371], %swap3A_374 {add = true, strides = array<i32>} : memref<100x64xf32, #tpu.memory_space<vmem>>, vector<1x16xf32>,
        %mul3A_375 = arith.constant 2 : i32
        %mul3A_376 = arith.muli %mul3A_375, %scan3A_338 : i32
        %add3A_377 = arith.constant 0 : i32
        %add3A_378 = arith.addi %mul3A_376, %add3A_377 : i32
        %mul3A_379 = arith.constant 2 : i32
        %mul3A_380 = arith.muli %mul3A_379, %scan3A_338 : i32
        %add3A_381 = arith.constant 100 : i32
        %add3A_382 = arith.addi %add3A_381, %mul3A_380 : i32
        %add3A_383 = arith.constant 0 : i32
        %add3A_384 = arith.addi %add3A_382, %add3A_383 : i32
        %get3A_385 = arith.index_cast %add3A_384 : i32 to index
        %get3A_386 = arith.constant 32 : index
        %get3A_387 = tpu.vector_load %arg7[%get3A_385, %get3A_386] {strides = array<i32>} : memref<200x64xf32, #tpu.memory_space<vmem>>, vector<1x16xf32>,
        %get3A_388 = vector.shape_cast %get3A_387 : vector<1x16xf32> to vector<16xf32>
        %swap3A_389 = arith.index_cast %add3A_378 : i32 to index
        %swap3A_390 = arith.constant 32 : index
        %swap3A_391 = tpu.vector_load %arg15[%swap3A_389, %swap3A_390] {strides = array<i32>} : memref<100x64xf32, #tpu.memory_space<vmem>>, vector<1x16xf32>,
        %swap3A_392 = vector.shape_cast %swap3A_391 : vector<1x16xf32> to vector<16xf32>
        %swap3A_393 = vector.shape_cast %get3A_388 : vector<16xf32> to vector<1x16xf32>
        tpu.vector_store %arg15[%swap3A_389, %swap3A_390], %swap3A_393 {add = true, strides = array<i32>} : memref<100x64xf32, #tpu.memory_space<vmem>>, vector<1x16xf32>,
        %mul3A_394 = arith.constant 2 : i32
        %mul3A_395 = arith.muli %mul3A_394, %scan3A_338 : i32
        %add3A_396 = arith.constant 0 : i32
        %add3A_397 = arith.addi %mul3A_395, %add3A_396 : i32
        %mul3A_398 = arith.constant 2 : i32
        %mul3A_399 = arith.muli %mul3A_398, %scan3A_338 : i32
        %add3A_400 = arith.constant 100 : i32
        %add3A_401 = arith.addi %add3A_400, %mul3A_399 : i32
        %add3A_402 = arith.constant 0 : i32
        %add3A_403 = arith.addi %add3A_401, %add3A_402 : i32
        %get3A_404 = arith.index_cast %add3A_403 : i32 to index
        %get3A_405 = arith.constant 48 : index
        %get3A_406 = tpu.vector_load %arg7[%get3A_404, %get3A_405] {strides = array<i32>} : memref<200x64xf32, #tpu.memory_space<vmem>>, vector<1x16xf32>,
        %get3A_407 = vector.shape_cast %get3A_406 : vector<1x16xf32> to vector<16xf32>
        %swap3A_408 = arith.index_cast %add3A_397 : i32 to index
        %swap3A_409 = arith.constant 48 : index
        %swap3A_410 = tpu.vector_load %arg15[%swap3A_408, %swap3A_409] {strides = array<i32>} : memref<100x64xf32, #tpu.memory_space<vmem>>, vector<1x16xf32>,
        %swap3A_411 = vector.shape_cast %swap3A_410 : vector<1x16xf32> to vector<16xf32>
        %swap3A_412 = vector.shape_cast %get3A_407 : vector<16xf32> to vector<1x16xf32>
        tpu.vector_store %arg15[%swap3A_408, %swap3A_409], %swap3A_412 {add = true, strides = array<i32>} : memref<100x64xf32, #tpu.memory_space<vmem>>, vector<1x16xf32>,
        %mul3A_413 = arith.constant 2 : i32
        %mul3A_414 = arith.muli %mul3A_413, %scan3A_338 : i32
        %add3A_415 = arith.constant 1 : i32
        %add3A_416 = arith.addi %mul3A_414, %add3A_415 : i32
        %mul3A_417 = arith.constant 2 : i32
        %mul3A_418 = arith.muli %mul3A_417, %scan3A_338 : i32
        %add3A_419 = arith.constant 100 : i32
        %add3A_420 = arith.addi %add3A_419, %mul3A_418 : i32
        %add3A_421 = arith.constant 1 : i32
        %add3A_422 = arith.addi %add3A_420, %add3A_421 : i32
        %get3A_423 = arith.index_cast %add3A_422 : i32 to index
        %get3A_424 = arith.constant 0 : index
        %get3A_425 = tpu.vector_load %arg7[%get3A_423, %get3A_424] {strides = array<i32>} : memref<200x64xf32, #tpu.memory_space<vmem>>, vector<1x16xf32>,
        %get3A_426 = vector.shape_cast %get3A_425 : vector<1x16xf32> to vector<16xf32>
        %swap3A_427 = arith.index_cast %add3A_416 : i32 to index
        %swap3A_428 = arith.constant 0 : index
        %swap3A_429 = tpu.vector_load %arg15[%swap3A_427, %swap3A_428] {strides = array<i32>} : memref<100x64xf32, #tpu.memory_space<vmem>>, vector<1x16xf32>,
        %swap3A_430 = vector.shape_cast %swap3A_429 : vector<1x16xf32> to vector<16xf32>
        %swap3A_431 = vector.shape_cast %get3A_426 : vector<16xf32> to vector<1x16xf32>
        tpu.vector_store %arg15[%swap3A_427, %swap3A_428], %swap3A_431 {add = true, strides = array<i32>} : memref<100x64xf32, #tpu.memory_space<vmem>>, vector<1x16xf32>,
        %mul3A_432 = arith.constant 2 : i32
        %mul3A_433 = arith.muli %mul3A_432, %scan3A_338 : i32
        %add3A_434 = arith.constant 1 : i32
        %add3A_435 = arith.addi %mul3A_433, %add3A_434 : i32
        %mul3A_436 = arith.constant 2 : i32
        %mul3A_437 = arith.muli %mul3A_436, %scan3A_338 : i32
        %add3A_438 = arith.constant 100 : i32
        %add3A_439 = arith.addi %add3A_438, %mul3A_437 : i32
        %add3A_440 = arith.constant 1 : i32
        %add3A_441 = arith.addi %add3A_439, %add3A_440 : i32
        %get3A_442 = arith.index_cast %add3A_441 : i32 to index
        %get3A_443 = arith.constant 16 : index
        %get3A_444 = tpu.vector_load %arg7[%get3A_442, %get3A_443] {strides = array<i32>} : memref<200x64xf32, #tpu.memory_space<vmem>>, vector<1x16xf32>,
        %get3A_445 = vector.shape_cast %get3A_444 : vector<1x16xf32> to vector<16xf32>
        %swap3A_446 = arith.index_cast %add3A_435 : i32 to index
        %swap3A_447 = arith.constant 16 : index
        %swap3A_448 = tpu.vector_load %arg15[%swap3A_446, %swap3A_447] {strides = array<i32>} : memref<100x64xf32, #tpu.memory_space<vmem>>, vector<1x16xf32>,
        %swap3A_449 = vector.shape_cast %swap3A_448 : vector<1x16xf32> to vector<16xf32>
        %swap3A_450 = vector.shape_cast %get3A_445 : vector<16xf32> to vector<1x16xf32>
        tpu.vector_store %arg15[%swap3A_446, %swap3A_447], %swap3A_450 {add = true, strides = array<i32>} : memref<100x64xf32, #tpu.memory_space<vmem>>, vector<1x16xf32>,
        %mul3A_451 = arith.constant 2 : i32
        %mul3A_452 = arith.muli %mul3A_451, %scan3A_338 : i32
        %add3A_453 = arith.constant 1 : i32
        %add3A_454 = arith.addi %mul3A_452, %add3A_453 : i32
        %mul3A_455 = arith.constant 2 : i32
        %mul3A_456 = arith.muli %mul3A_455, %scan3A_338 : i32
        %add3A_457 = arith.constant 100 : i32
        %add3A_458 = arith.addi %add3A_457, %mul3A_456 : i32
        %add3A_459 = arith.constant 1 : i32
        %add3A_460 = arith.addi %add3A_458, %add3A_459 : i32
        %get3A_461 = arith.index_cast %add3A_460 : i32 to index
        %get3A_462 = arith.constant 32 : index
        %get3A_463 = tpu.vector_load %arg7[%get3A_461, %get3A_462] {strides = array<i32>} : memref<200x64xf32, #tpu.memory_space<vmem>>, vector<1x16xf32>,
        %get3A_464 = vector.shape_cast %get3A_463 : vector<1x16xf32> to vector<16xf32>
        %swap3A_465 = arith.index_cast %add3A_454 : i32 to index
        %swap3A_466 = arith.constant 32 : index
        %swap3A_467 = tpu.vector_load %arg15[%swap3A_465, %swap3A_466] {strides = array<i32>} : memref<100x64xf32, #tpu.memory_space<vmem>>, vector<1x16xf32>,
        %swap3A_468 = vector.shape_cast %swap3A_467 : vector<1x16xf32> to vector<16xf32>
        %swap3A_469 = vector.shape_cast %get3A_464 : vector<16xf32> to vector<1x16xf32>
        tpu.vector_store %arg15[%swap3A_465, %swap3A_466], %swap3A_469 {add = true, strides = array<i32>} : memref<100x64xf32, #tpu.memory_space<vmem>>, vector<1x16xf32>,
        %mul3A_470 = arith.constant 2 : i32
        %mul3A_471 = arith.muli %mul3A_470, %scan3A_338 : i32
        %add3A_472 = arith.constant 1 : i32
        %add3A_473 = arith.addi %mul3A_471, %add3A_472 : i32
        %mul3A_474 = arith.constant 2 : i32
        %mul3A_475 = arith.muli %mul3A_474, %scan3A_338 : i32
        %add3A_476 = arith.constant 100 : i32
        %add3A_477 = arith.addi %add3A_476, %mul3A_475 : i32
        %add3A_478 = arith.constant 1 : i32
        %add3A_479 = arith.addi %add3A_477, %add3A_478 : i32
        %get3A_480 = arith.index_cast %add3A_479 : i32 to index
        %get3A_481 = arith.constant 48 : index
        %get3A_482 = tpu.vector_load %arg7[%get3A_480, %get3A_481] {strides = array<i32>} : memref<200x64xf32, #tpu.memory_space<vmem>>, vector<1x16xf32>,
        %get3A_483 = vector.shape_cast %get3A_482 : vector<1x16xf32> to vector<16xf32>
        %swap3A_484 = arith.index_cast %add3A_473 : i32 to index
        %swap3A_485 = arith.constant 48 : index
        %swap3A_486 = tpu.vector_load %arg15[%swap3A_484, %swap3A_485] {strides = array<i32>} : memref<100x64xf32, #tpu.memory_space<vmem>>, vector<1x16xf32>,
        %swap3A_487 = vector.shape_cast %swap3A_486 : vector<1x16xf32> to vector<16xf32>
        %swap3A_488 = vector.shape_cast %get3A_483 : vector<16xf32> to vector<1x16xf32>
        tpu.vector_store %arg15[%swap3A_484, %swap3A_485], %swap3A_488 {add = true, strides = array<i32>} : memref<100x64xf32, #tpu.memory_space<vmem>>, vector<1x16xf32>,
      }
      %scan3A_322 = arith.constant 50 : i32
      %mul3A_323 = arith.constant 100 : i32
      %mul3A_324 = arith.muli %add3A_310, %mul3A_323 : i32
      %add3A_325 = arith.addi %mul3A_2, %mul3A_324 : i32
      %multiple_of3A_326 = tpu.assume_multiple %add3A_325, 4 : i32
      %dma_start3A_327 = arith.constant 0 : i32
      %dma_start3A_328 = tpu.memref_slice %arg5[%multiple_of3A_326, %dma_start3A_327] : memref<819200x64xf32, #tpu.memory_space<hbm>> -> memref<100x64xf32, #tpu.memory_space<hbm>>
      %dma_start3A_329 = arith.constant 0 : i32
      %dma_start3A_330 = tpu.memref_slice %arg5[%multiple_of3A_326, %dma_start3A_329] : memref<819200x64xf32, #tpu.memory_space<hbm>> -> memref<100x64xf32, #tpu.memory_space<hbm>>
      tpu.enqueue_dma source(%arg15 : memref<100x64xf32, #tpu.memory_space<vmem>>) target(%dma_start3A_330 : memref<100x64xf32, #tpu.memory_space<hbm>>) target_semaphore(%arg31 : memref<!tpu.dma_semaphore, #tpu.memory_space<semaphore_mem>>)
      %add3A_331 = arith.constant 6 : i32
      %add3A_332 = arith.addi %add3A_310, %add3A_331 : i32
      %lt3A_333 = arith.constant 256 : i32
      %lt3A_334 = arith.cmpi slt, %add3A_332, %lt3A_333 : i32
      %convert_element_type3A_335 = arith.extui %lt3A_334 : i1 to i32
      %cond3A_336 = arith.constant 0 : i32
      %cond3A_337 = arith.cmpi ne, %convert_element_type3A_335, %cond3A_336 : i32
      scf.if %cond3A_337 {
        %sub3A = arith.constant 8 : i32
        %sub3A_338 = arith.subi %add3A_332, %sub3A : i32
        %mul3A_339 = arith.constant 100 : i32
        %mul3A_340 = arith.muli %sub3A_338, %mul3A_339 : i32
        %add3A_341 = arith.addi %mul3A_2, %mul3A_340 : i32
        %multiple_of3A_342 = tpu.assume_multiple %add3A_341, 4 : i32
        %dma_wait3A_343 = arith.constant 0 : i32
        %dma_wait3A_344 = tpu.memref_slice %arg5[%multiple_of3A_342, %dma_wait3A_343] : memref<819200x64xf32, #tpu.memory_space<hbm>> -> memref<100x64xf32, #tpu.memory_space<hbm>>
        %dma_wait3A_345 = arith.constant 0 : i32
        %dma_wait3A_346 = tpu.memref_slice %arg5[%multiple_of3A_342, %dma_wait3A_345] : memref<819200x64xf32, #tpu.memory_space<hbm>> -> memref<100x64xf32, #tpu.memory_space<hbm>>
        tpu.wait_dma2 semaphore(%arg29 : memref<!tpu.dma_semaphore, #tpu.memory_space<semaphore_mem>>) src(%arg13 : memref<100x64xf32, #tpu.memory_space<vmem>>) dst(%dma_wait3A_346 : memref<100x64xf32, #tpu.memory_space<hbm>>)
        %dma_start3A_347 = arith.constant 0 : i32
        %dma_start3A_348 = tpu.memref_slice %arg6[%add3A_332, %dma_start3A_347] : memref<256x100xi32, #tpu.memory_space<vmem>> -> memref<1x100xi32, #tpu.memory_space<vmem>>
        %dma_start3A_349 = tpu.memref_squeeze %dma_start3A_348 : memref<1x100xi32, #tpu.memory_space<vmem>> -> memref<100xi32, #tpu.memory_space<vmem>>
        %dma_start3A_350 = arith.constant 0 : i32
        %dma_start3A_351 = arith.constant 0 : i32
        %dma_start3A_352 = tpu.memref_slice %arg2[%dma_start3A_350, %dma_start3A_351] : memref<1000000x64xf32, #tpu.memory_space<hbm>> -> memref<1000000x64xf32, #tpu.memory_space<hbm>>
        tpu.enqueue_indirect_dma source(%dma_start3A_352 : memref<1000000x64xf32, #tpu.memory_space<hbm>>) target(%arg13 : memref<100x64xf32, #tpu.memory_space<vmem>>) offsets(%dma_start3A_349 : memref<100xi32, #tpu.memory_space<vmem>>) semaphore(%arg21 : memref<!tpu.dma_semaphore, #tpu.memory_space<semaphore_mem>>)
      } else {
      }
    }
    %scan3A_50 = arith.constant 32 : i32
    %add3A_51 = arith.constant 24800 : i32
    %add3A_52 = arith.addi %mul3A_2, %add3A_51 : i32
    %multiple_of3A_53 = tpu.assume_multiple %add3A_52, 4 : i32
    %dma_wait3A = arith.constant 0 : i32
    %dma_wait3A_54 = tpu.memref_slice %arg5[%multiple_of3A_53, %dma_wait3A] : memref<819200x64xf32, #tpu.memory_space<hbm>> -> memref<100x64xf32, #tpu.memory_space<hbm>>
    %dma_wait3A_55 = arith.constant 0 : i32
    %dma_wait3A_56 = tpu.memref_slice %arg5[%multiple_of3A_53, %dma_wait3A_55] : memref<819200x64xf32, #tpu.memory_space<hbm>> -> memref<100x64xf32, #tpu.memory_space<hbm>>
    tpu.wait_dma2 semaphore(%arg24 : memref<!tpu.dma_semaphore, #tpu.memory_space<semaphore_mem>>) src(%arg8 : memref<100x64xf32, #tpu.memory_space<vmem>>) dst(%dma_wait3A_56 : memref<100x64xf32, #tpu.memory_space<hbm>>)
    %add3A_57 = arith.constant 24900 : i32
    %add3A_58 = arith.addi %mul3A_2, %add3A_57 : i32
    %multiple_of3A_59 = tpu.assume_multiple %add3A_58, 4 : i32
    %dma_wait3A_60 = arith.constant 0 : i32
    %dma_wait3A_61 = tpu.memref_slice %arg5[%multiple_of3A_59, %dma_wait3A_60] : memref<819200x64xf32, #tpu.memory_space<hbm>> -> memref<100x64xf32, #tpu.memory_space<hbm>>
    %dma_wait3A_62 = arith.constant 0 : i32
    %dma_wait3A_63 = tpu.memref_slice %arg5[%multiple_of3A_59, %dma_wait3A_62] : memref<819200x64xf32, #tpu.memory_space<hbm>> -> memref<100x64xf32, #tpu.memory_space<hbm>>
    tpu.wait_dma2 semaphore(%arg25 : memref<!tpu.dma_semaphore, #tpu.memory_space<semaphore_mem>>) src(%arg9 : memref<100x64xf32, #tpu.memory_space<vmem>>) dst(%dma_wait3A_63 : memref<100x64xf32, #tpu.memory_space<hbm>>)
    %add3A_64 = arith.constant 25000 : i32
    %add3A_65 = arith.addi %mul3A_2, %add3A_64 : i32
    %multiple_of3A_66 = tpu.assume_multiple %add3A_65, 4 : i32
    %dma_wait3A_67 = arith.constant 0 : i32
    %dma_wait3A_68 = tpu.memref_slice %arg5[%multiple_of3A_66, %dma_wait3A_67] : memref<819200x64xf32, #tpu.memory_space<hbm>> -> memref<100x64xf32, #tpu.memory_space<hbm>>
    %dma_wait3A_69 = arith.constant 0 : i32
    %dma_wait3A_70 = tpu.memref_slice %arg5[%multiple_of3A_66, %dma_wait3A_69] : memref<819200x64xf32, #tpu.memory_space<hbm>> -> memref<100x64xf32, #tpu.memory_space<hbm>>
    tpu.wait_dma2 semaphore(%arg26 : memref<!tpu.dma_semaphore, #tpu.memory_space<semaphore_mem>>) src(%arg10 : memref<100x64xf32, #tpu.memory_space<vmem>>) dst(%dma_wait3A_70 : memref<100x64xf32, #tpu.memory_space<hbm>>)
    %add3A_71 = arith.constant 25100 : i32
    %add3A_72 = arith.addi %mul3A_2, %add3A_71 : i32
    %multiple_of3A_73 = tpu.assume_multiple %add3A_72, 4 : i32
    %dma_wait3A_74 = arith.constant 0 : i32
    %dma_wait3A_75 = tpu.memref_slice %arg5[%multiple_of3A_73, %dma_wait3A_74] : memref<819200x64xf32, #tpu.memory_space<hbm>> -> memref<100x64xf32, #tpu.memory_space<hbm>>
    %dma_wait3A_76 = arith.constant 0 : i32
    %dma_wait3A_77 = tpu.memref_slice %arg5[%multiple_of3A_73, %dma_wait3A_76] : memref<819200x64xf32, #tpu.memory_space<hbm>> -> memref<100x64xf32, #tpu.memory_space<hbm>>
    tpu.wait_dma2 semaphore(%arg27 : memref<!tpu.dma_semaphore, #tpu.memory_space<semaphore_mem>>) src(%arg11 : memref<100x64xf32, #tpu.memory_space<vmem>>) dst(%dma_wait3A_77 : memref<100x64xf32, #tpu.memory_space<hbm>>)
    %add3A_78 = arith.constant 25200 : i32
    %add3A_79 = arith.addi %mul3A_2, %add3A_78 : i32
    %multiple_of3A_80 = tpu.assume_multiple %add3A_79, 4 : i32
    %dma_wait3A_81 = arith.constant 0 : i32
    %dma_wait3A_82 = tpu.memref_slice %arg5[%multiple_of3A_80, %dma_wait3A_81] : memref<819200x64xf32, #tpu.memory_space<hbm>> -> memref<100x64xf32, #tpu.memory_space<hbm>>
    %dma_wait3A_83 = arith.constant 0 : i32
    %dma_wait3A_84 = tpu.memref_slice %arg5[%multiple_of3A_80, %dma_wait3A_83] : memref<819200x64xf32, #tpu.memory_space<hbm>> -> memref<100x64xf32, #tpu.memory_space<hbm>>
    tpu.wait_dma2 semaphore(%arg28 : memref<!tpu.dma_semaphore, #tpu.memory_space<semaphore_mem>>) src(%arg12 : memref<100x64xf32, #tpu.memory_space<vmem>>) dst(%dma_wait3A_84 : memref<100x64xf32, #tpu.memory_space<hbm>>)
    %add3A_85 = arith.constant 25300 : i32
    %add3A_86 = arith.addi %mul3A_2, %add3A_85 : i32
    %multiple_of3A_87 = tpu.assume_multiple %add3A_86, 4 : i32
    %dma_wait3A_88 = arith.constant 0 : i32
    %dma_wait3A_89 = tpu.memref_slice %arg5[%multiple_of3A_87, %dma_wait3A_88] : memref<819200x64xf32, #tpu.memory_space<hbm>> -> memref<100x64xf32, #tpu.memory_space<hbm>>
    %dma_wait3A_90 = arith.constant 0 : i32
    %dma_wait3A_91 = tpu.memref_slice %arg5[%multiple_of3A_87, %dma_wait3A_90] : memref<819200x64xf32, #tpu.memory_space<hbm>> -> memref<100x64xf32, #tpu.memory_space<hbm>>
    tpu.wait_dma2 semaphore(%arg29 : memref<!tpu.dma_semaphore, #tpu.memory_space<semaphore_mem>>) src(%arg13 : memref<100x64xf32, #tpu.memory_space<vmem>>) dst(%dma_wait3A_91 : memref<100x64xf32, #tpu.memory_space<hbm>>)
    %add3A_92 = arith.constant 25400 : i32
    %add3A_93 = arith.addi %mul3A_2, %add3A_92 : i32
    %multiple_of3A_94 = tpu.assume_multiple %add3A_93, 4 : i32
    %dma_wait3A_95 = arith.constant 0 : i32
    %dma_wait3A_96 = tpu.memref_slice %arg5[%multiple_of3A_94, %dma_wait3A_95] : memref<819200x64xf32, #tpu.memory_space<hbm>> -> memref<100x64xf32, #tpu.memory_space<hbm>>
    %dma_wait3A_97 = arith.constant 0 : i32
    %dma_wait3A_98 = tpu.memref_slice %arg5[%multiple_of3A_94, %dma_wait3A_97] : memref<819200x64xf32, #tpu.memory_space<hbm>> -> memref<100x64xf32, #tpu.memory_space<hbm>>
    tpu.wait_dma2 semaphore(%arg30 : memref<!tpu.dma_semaphore, #tpu.memory_space<semaphore_mem>>) src(%arg14 : memref<100x64xf32, #tpu.memory_space<vmem>>) dst(%dma_wait3A_98 : memref<100x64xf32, #tpu.memory_space<hbm>>)
    %add3A_99 = arith.constant 25500 : i32
    %add3A_100 = arith.addi %mul3A_2, %add3A_99 : i32
    %multiple_of3A_101 = tpu.assume_multiple %add3A_100, 4 : i32
    %dma_wait3A_102 = arith.constant 0 : i32
    %dma_wait3A_103 = tpu.memref_slice %arg5[%multiple_of3A_101, %dma_wait3A_102] : memref<819200x64xf32, #tpu.memory_space<hbm>> -> memref<100x64xf32, #tpu.memory_space<hbm>>
    %dma_wait3A_104 = arith.constant 0 : i32
    %dma_wait3A_105 = tpu.memref_slice %arg5[%multiple_of3A_101, %dma_wait3A_104] : memref<819200x64xf32, #tpu.memory_space<hbm>> -> memref<100x64xf32, #tpu.memory_space<hbm>>
    tpu.wait_dma2 semaphore(%arg31 : memref<!tpu.dma_semaphore, #tpu.memory_space<semaphore_mem>>) src(%arg15 : memref<100x64xf32, #tpu.memory_space<vmem>>) dst(%dma_wait3A_105 : memref<100x64xf32, #tpu.memory_space<hbm>>)
    return
  }
}

</mosaic_0001>

<sc_bundles>
// kernel: kernel.3.cloned.1.call-start
scs
__scs_entry_jumppad:
0x0: {  	(pc) =	sbr.rel $0x88, $3  }
0x1: {  	(tag) =	ssettag $0x0;
	lr =	simm.s32 $0x1  }
0x2: {  	[smem:$0x3F9F] =	sst lr;
	_ =	strace $0xD0000000  }
0x3: {  	_ = 	snop  }
0x4: {  	_ = 	snop  }
0x5: {  	_ = 	snop  }
0x6: {  	_ = 	snop  }
0x7: {  	_ = 	snop  }
__scs_overlays_trampoline_lowered:
0x8: {  	[smem:$0x3FAE] =	sst s0  }
0x9: {  	[smem:$0x3FAF] =	sst s1  }
0xa: {  	[smem:$0x3FB0] =	sst s2  }
0xb: {  	[smem:$0x3FB1] =	sst s3  }
0xc: {  	[smem:$0x3FB2] =	sst s4  }
0xd: {  	[smem:$0x3FB3] =	sst s5  }
0xe: {  	[smem:$0x3FB4] =	sst s6  }
0xf: {  	[smem:$0x3FB5] =	sst s7  }
0x10: {  	[smem:$0x3FB6] =	sst s8  }
0x11: {  	[smem:$0x3FB7] =	sst s9;
	s0 =	simm.s32 @!p0 $0x0  }
0x12: {  	s1 =	sld [smem:$0x3F9D];
	s0 =	simm.s32 @p0 $0x1  }
0x13: {  	[smem:$0x3FB8] =	sst s0;
	s0 =	simm.s32 @!p1 $0x0  }
0x14: {  	s2 =	sld [smem:$0x3F9C];
	s0 =	simm.s32 @p1 $0x1  }
0x15: {  	[smem:$0x3FB9] =	sst s0;
	s0 =	simm.s32 @!p2 $0x0  }
0x16: {  	s3 =	sld [smem:$0x3FDB];
	s0 =	simm.s32 @p2 $0x1  }
0x17: {  	s4 =	simm.s32 $0x1BF5;
	[smem:$0x3FBB] =	sst s0  }
0x18: {  	s0 =	sld [smem:$0x3F9E];
	_ =	swait.ge [sflag:s4], $0x0  }
0x19: {  	s7 =	sld [smem:$0x3F9F]  }
0x1a: {  	s8 =	sadd.s32 $0xFFFFE003, lr  }
0x1b: {  	s9 =	sadd.s32 $0xFFFFFEF7, lr;
	s5 =	simm.s32 $0xFFFFFFFF;
	p2 =	slt.u32 s8, $0xFFFFF086  }
0x1c: {  	p1 =	slt.u32 s9, $0xF7A;
	s5 =	simm.s32 @!p2 $0x0  }
0x1d: {  	s5 =	simm.s32 @p1 $0x1;
	p0 =	seq.s32 s7, s2  }
0x1e: {  	s7 =	smul.u32 @!p0 $0xF7A, s2;
	p2 =	seq.s32 @!p0 s5, $0x0  }
0x1f: {  	s9 =	smul.u32 $0xF7A, s1;
	s8 =	simm.s32 @!p0 $0x1BF5;
	p2 =	por !p2, p0  }
0x20: {  	[sflag:s8] =	ssyncset.s32 @!p0 $0xFFFFF086;
	s6 =	sadd.s32 @!p0 s3, s7;
	s7 =	simm.s32 @!p0 $0x108  }
0x21: {  	s3 =	sadd.s32 s3, s9;
	s6 =	sadd.s32 @!p0 $0x88, s6;
	s7 =	simm.s32 @p2 $0x1082  }
0x22: {  	[simem:s7], [sflag:s8] =	dma.local @!p0 [hbm:s6], $0xF7A  }
0x23: {  	s9 =	sor.u32 $0xD0000000, s2;
	s6 =	simm.s32 $0x108;
	_ =	swait.ge @!p0 [sflag:s8], $0x0  }
0x24: {  	s3 =	sadd.s32 $0x88, s3;
	s6 =	simm.s32 @!p1 $0x1082;
	[sflag:s4] =	ssyncset.s32 $0xFFFFF086  }
0x25: {  	[simem:s6], [sflag:s4] =	dma.local [hbm:s3], $0xF7A  }
0x26: {  	[smem:$0x3F9F] =	sst s1;
	(tag) =	ssettag s2;
	_ =	strace s9  }
0x27: {  	s1 =	sld [smem:$0x3FAF]  }
0x28: {  	s2 =	sld [smem:$0x3FB0]  }
0x29: {  	s4 =	sld [smem:$0x3FB2]  }
0x2a: {  	p0 =	seq.s32 s5, $0x0;
	s5 =	sld [smem:$0x3FB3]  }
0x2b: {  	s6 =	sld [smem:$0x3FB4]  }
0x2c: {  	s7 =	sld [smem:$0x3FB5]  }
0x2d: {  	s3 =	simm.s32 $0x108;
	s8 =	sld [smem:$0x3FB6]  }
0x2e: {  	s3 =	simm.s32 @!p0 $0x1082;
	s9 =	sld [smem:$0x3FB7]  }
0x2f: {  	lr =	sadd.s32 s0, s3;
	s0 =	sld [smem:$0x3FAE]  }
0x30: {  	s3 =	sld [smem:$0x3FB1]  }
0x31: {  	[smem:$0x3FBA] =	sst s10  }
0x32: {  	s10 =	sld [smem:$0x3FB8];
	_ =	sdelay $0x3  }
0x33: {  	p0 =	seq.s32 s10, $0x1;
	s10 =	sld [smem:$0x3FBA];
	_ =	sdelay $0x3  }
0x34: {  	[smem:$0x3FBA] =	sst s10  }
0x35: {  	s10 =	sld [smem:$0x3FB9];
	_ =	sdelay $0x3  }
0x36: {  	p1 =	seq.s32 s10, $0x1;
	s10 =	sld [smem:$0x3FBA];
	_ =	sdelay $0x3  }
0x37: {  	[smem:$0x3FBA] =	sst s10  }
0x38: {  	s10 =	sld [smem:$0x3FBB]  }
0x39: {  	_ = 	snop;
	(pc) =	sbr.ind lr, $3  }
0x3a: {  	_ = 	snop  }
0x3b: {  	_ = 	snop  }
0x3c: {  	p2 =	seq.s32 s10, $0x1;
	s10 =	sld [smem:$0x3FBA]  }
0x3d: {  	_ =	shalt  }
0x3e: {  	_ =	shalt  }
0x3f: {  	_ =	shalt  }
0x40: {  	_ =	shalt  }
0x41: {  	_ =	shalt  }
0x42: {  	_ =	shalt  }
0x43: {  	_ =	shalt  }
0x44: {  	_ =	shalt  }
0x45: {  	_ =	shalt  }
0x46: {  	_ =	shalt  }
0x47: {  	_ =	shalt  }
0x48: {  	_ =	shalt  }
0x49: {  	_ =	shalt  }
0x4a: {  	_ =	shalt  }
0x4b: {  	_ =	shalt  }
0x4c: {  	_ =	shalt  }
0x4d: {  	_ =	shalt  }
0x4e: {  	_ =	shalt  }
0x4f: {  	_ =	shalt  }
0x50: {  	_ =	shalt  }
0x51: {  	_ =	shalt  }
0x52: {  	_ =	shalt  }
0x53: {  	_ =	shalt  }
0x54: {  	_ =	shalt  }
0x55: {  	_ =	shalt  }
0x56: {  	_ =	shalt  }
0x57: {  	_ =	shalt  }
0x58: {  	_ =	shalt  }
0x59: {  	_ =	shalt  }
0x5a: {  	_ =	shalt  }
0x5b: {  	_ =	shalt  }
0x5c: {  	_ =	shalt  }
0x5d: {  	_ =	shalt  }
0x5e: {  	_ =	shalt  }
0x5f: {  	_ =	shalt  }
0x60: {  	_ =	shalt  }
0x61: {  	_ =	shalt  }
0x62: {  	_ =	shalt  }
0x63: {  	_ =	shalt  }
0x64: {  	_ =	shalt  }
0x65: {  	_ =	shalt  }
0x66: {  	_ =	shalt  }
0x67: {  	_ =	shalt  }
0x68: {  	_ =	shalt  }
0x69: {  	_ =	shalt  }
0x6a: {  	_ =	shalt  }
0x6b: {  	_ =	shalt  }
0x6c: {  	_ =	shalt  }
0x6d: {  	_ =	shalt  }
0x6e: {  	_ =	shalt  }
0x6f: {  	_ =	shalt  }
0x70: {  	_ =	shalt  }
0x71: {  	_ =	shalt  }
0x72: {  	_ =	shalt  }
0x73: {  	_ =	shalt  }
0x74: {  	_ =	shalt  }
0x75: {  	_ =	shalt  }
0x76: {  	_ =	shalt  }
0x77: {  	_ =	shalt  }
0x78: {  	_ =	shalt  }
0x79: {  	_ =	shalt  }
0x7a: {  	_ =	shalt  }
0x7b: {  	_ =	shalt  }
0x7c: {  	_ =	shalt  }
0x7d: {  	_ =	shalt  }
0x7e: {  	_ =	shalt  }
0x7f: {  	_ =	shalt  }
0x80: {  	_ =	shalt  }
0x81: {  	_ =	shalt  }
0x82: {  	_ =	shalt  }
0x83: {  	_ =	shalt  }
0x84: {  	_ =	shalt  }
0x85: {  	_ =	shalt  }
0x86: {  	_ =	shalt  }
0x87: {  	_ =	shalt  }
.Lfunc_end0:
.L_simem_size_0:
called_computation.1_lowered:
.L_overlay_start_0:
0x88: {  	s2 =	sld [smem:$0x3FD9]  }
0x89: {  	s3 =	sld [smem:$0x3FFE];
	_ =	sdelay $0x1  }
0x8a: {  	s1 =	srdreg.scid  }
0x8b: {  	s0 =	sand.u32 $0x1, s1  }
0x8c: {  	s17 =	sshll.u32 s0, $0xA;
	s2 =	sadd.s32 s3, s2  }
0x8d: {  	s2 =	sadd.s32 s2, s17  }
0x8e: {  	[smem:$0x3FC6] =	sst s2  }
0x8f: {  	_ = 	snop  }
0x90: {  	s2 =	sld [smem:$0x3FD0];
	(tm) =	ssettm $0x1  }
0x91: {  	s18 =	sld [smem:$0x3FFB];
	_ =	sdelay $0x3  }
0x92: {  	_ =	strace s18  }
0x93: {  	s3 =	sld [smem:$0x3FFC];
	_ =	sdelay $0x3  }
0x94: {  	_ =	strace s3  }
0x95: {  	s3 =	sld [smem:$0x3FFD];
	_ =	sdelay $0x3  }
0x96: {  	_ =	strace s3  }
0x97: {  	_ =	strace $0x8FFFFFFF  }
0x98: {  	s19 =	sld [smem:$0x3FDB];
	_ =	sdelay $0x1  }
0x99: {  	s4 =	simm.s32 $_scs_section_size  }
0x9a: {  	s5 =	simm.s32 $_size__tile_overlayer_lowered;
	s6 =	simm.s32 $_tile_overlayer_lowered  }
0x9b: {  	s22 =	simm.s32 $0x1BFF;
	s21 =	sshll.u32 s6, $0x1;
	s3 =	sadd.s32 s4, s19  }
0x9c: {  	s7 =	simm.s32 $0x0;
	s20 =	sshll.u32 s5, $0x1;
	s5 =	sadd.s32 s21, s3  }
0x9d: {  	[timem:s7], [sflag:s22] =	dma.local [hbm:s5], s20  }
0x9e: {  	_ =	swait.ge [sflag:s22], s20  }
0x9f: {  	s4 =	ssub.s32 $0x0, s20;
	[sflag:s22] =	ssyncset.done $0x0  }
0xa0: {  	[sflag:s22] =	ssyncadd.s32 s4;
	_ =	sdelay $0x1  }
0xa1: {  	s23 =	simm.s32 $0x1B8B  }
0xa2: {  	_ =	swait.ge [sflag:s23], $0x1  }
0xa3: {  	[sflag:s23] =	ssyncset.done $0x0  }
0xa4: {  	s25 =	simm.s32 $0x1B8E;
	s24 =	sld [smem:$0x3FFE];
	[sflag:s23] =	ssyncadd.s32 $0xFFFFFFFF  }
0xa5: {  	s26 =	simm.s32 $execute0_lowered;
	[smem:$0x3FD2] =	sst s25  }
0xa6: {  	s5 =	sshll.u32 s26, $0x1;
	_ =	strace $0x80000046;
	[dreg:$0x1] =	wrdreg $0xFFFFFFFF  }
0xa7: {  	s28 =	simm.s32 $_size_execute0_lowered;
	s3 =	sadd.s32 s3, s5;
	[dreg:$0x0] =	wrdreg $0x0  }
0xa8: {  	s5 =	sshll.u32 s28, $0x1;
	[dreg:$0x2] =	wrdreg s3  }
0xa9: {  	[dreg:$0x3] =	wrdreg s5  }
0xaa: {  	[dreg:$0x4] =	wrdreg $0xC0  }
0xab: {  	_ =	task [dreg:s7], $0x5FFFF  }
0xac: {  	[dreg:$0x1] =	wrdreg $0xFFFFFFFF  }
0xad: {  	[dreg:$0x0] =	wrdreg $0x60  }
0xae: {  	[dreg:$0x2] =	wrdreg s24  }
0xaf: {  	[dreg:$0x3] =	wrdreg s2  }
0xb0: {  	[dreg:$0x4] =	wrdreg $0x9  }
0xb1: {  	_ =	task.clear_ibuf [dreg:s7], $0x5FFFF;
	_ =	strace $0x90000046  }
0xb2: {  	s29 =	simm.s32 $0x9;
	_ =	strace $0x80000048  }
0xb3: {  	_ =	swait.ge [sflag:s29], $0x1  }
0xb4: {  	[sflag:s29] =	ssyncadd.s32 $0xFFFFFFFF  }
0xb5: {  	_ =	strace $0x90000048  }
0xb6: {  	_ =	sfence  }
0xb7: {  	s30 =	sld [smem:$0x0];
	_ =	sdelay $0x2  }
0xb8: {  	s31 =	sshll.u32 s1, $0xD;
	s1 =	sshrl.u32 s1, $0x2  }
0xb9: {  	s3 =	sand.u32 $0x4000, s31;
	s1 =	sadd.s32 s1, s30  }
0xba: {  	s0 =	sor.u32 s3, s0;
	s1 =	sshll.u32 s1, $0x11  }
0xbb: {  	s0 =	sor.u32 s1, s0  }
0xbc: {  	s0 =	sadd.s32 $0x8F2B, s0  }
0xbd: {  	[sflag:s0] =	ssyncadd.remote.s32 $0x1  }
0xbe: {  	_ =	sfence.sel $0xFFFF  }
0xbf: {  	[dreg:$0x0] =	wrdreg $0xFFFFFFFF;
	(pc) =	sbr.abs _section_cstart, $3  }
0xc0: {  	[dreg:$0x1] =	wrdreg $0xFFFFFFFF  }
0xc1: {  	_ =	task.clear_ibuf [dreg:s7], $0x2FFFF;
	_ =	strace $0x9FFFFFFF  }
0xc2: {  	(tm) =	ssettm $0x7FFFFFFF  }
0xc3: {  	_ =	shalt  }
tec
execute0_lowered:
.L_overlay_start_1:
0x0: {  	(tag) =	ssettag $0x1  }
0x1: {  	s0 =	rddreg [dreg:$0x0];
	s1 =	srdreg.scid  }
0x2: {  	s3 =	stileid.u32;
	s2 =	rddreg [dreg:$0x1];
	s16 =	simm.s32 $0x64  }
0x3: {  	s28 =	simm.s32 $0x11700;
	s29 =	simm.s32 $0x1;
	s30 =	simm.s32 $0x13000  }
0x4: {  	s31 =	simm.s32 $0x2;
	s15 =	simm.s32 $0x4;
	s18 =	simm.s32 $0x5  }
0x5: {  	s20 =	simm.s32 $0x6;
	s22 =	simm.s32 $0x7;
	s24 =	simm.s32 $0x8  }
0x6: {  	s1 =	sand.u32 $0x1, s1;
	s4 =	sshll.u32 s3, $0x1;
	s3 =	simm.s32 $0x0  }
0x7: {  	s14 =	simm.s32 $0x0;
	s5 =	sor.u32 s1, s4;
	[smem:$0x7FF] =	sst s3  }
0x8: {  	s4 =	sadd.s32 $0xF42E00, s0;
	s1 =	ssub.s32 $0x2, s1;
	s6 =	smul.u32 $0xD00, s5  }
0x9: {  	_ =	strace $0x80000047;
	s7 =	sshrl.u32 s1, $0x1;
	s5 =	smul.u32 $0x6400, s5  }
0xa: {  	s25 =	ssub.s32 s1, s7;
	s1 =	simm.s32 $0x14900;
	s6 =	sadd.s32 s6, s0  }
.Ltmp0:
0xb: {  	s0 =	sadd.s32 $0x1AA00, s0;
	s8 =	sor.u32 $0x64, s5;
	(pc) =	sbr.rel .LBB2_1-.Ltmp0, $4  }
0xc: {  	s9 =	sor.u32 $0xC8, s5;
	s10 =	sor.u32 $0x12C, s5;
	s11 =	sor.u32 $0x190, s5  }
0xd: {  	s12 =	sor.u32 $0x1F4, s5;
	[dreg:$0x3] =	wrdreg s0;
	s26 =	sadd.s32 $0xA00, s6  }
0xe: {  	s0 =	smax.u32 s25, $0x1;
	s25 =	simm.s32 $0xFE00;
	[dreg:$0x4] =	wrdreg s26  }
0xf: {  	s6 =	simm.s32 $0xE;
	[dreg:$0x5] =	wrdreg s0;
	s0 =	simm.s32 $0x3  }
.LBB2_20:
0x10: {  	s7 =	simm.s32 $0x9  }
0x11: {  	_ =	swait.ge [sflag:s7], $0x1900  }
0x12: {  	[sflag:s7] =	ssyncset.done $0x0  }
0x13: {  	s14 =	simm.s32 $0xA;
	[sflag:s7] =	ssyncadd.s32 $0xFFFFE700  }
0x14: {  	_ =	swait.ge [sflag:s14], $0x1900  }
0x15: {  	[sflag:s14] =	ssyncset.done $0x0  }
0x16: {  	s17 =	simm.s32 $0xB;
	[sflag:s14] =	ssyncadd.s32 $0xFFFFE700  }
0x17: {  	_ =	swait.ge [sflag:s17], $0x1900  }
0x18: {  	[sflag:s17] =	ssyncset.done $0x0  }
0x19: {  	s19 =	simm.s32 $0xC;
	[sflag:s17] =	ssyncadd.s32 $0xFFFFE700  }
0x1a: {  	_ =	swait.ge [sflag:s19], $0x1900  }
0x1b: {  	[sflag:s19] =	ssyncset.done $0x0  }
0x1c: {  	s21 =	simm.s32 $0xD;
	[sflag:s19] =	ssyncadd.s32 $0xFFFFE700  }
0x1d: {  	_ =	swait.ge [sflag:s21], $0x1900  }
0x1e: {  	[sflag:s21] =	ssyncset.done $0x0  }
0x1f: {  	[sflag:s21] =	ssyncadd.s32 $0xFFFFE700  }
0x20: {  	_ =	swait.ge [sflag:s6], $0x1900  }
0x21: {  	[sflag:s6] =	ssyncset.done $0x0  }
0x22: {  	s23 =	simm.s32 $0xF;
	[sflag:s6] =	ssyncadd.s32 $0xFFFFE700  }
0x23: {  	_ =	swait.ge [sflag:s23], $0x1900  }
0x24: {  	[sflag:s23] =	ssyncset.done $0x0  }
0x25: {  	s13 =	simm.s32 $0x10;
	[sflag:s23] =	ssyncadd.s32 $0xFFFFE700  }
0x26: {  	_ =	swait.ge [sflag:s13], $0x1900  }
0x27: {  	s14 =	rddreg [dreg:$0x6]  }
0x28: {  	s26 =	rddreg [dreg:$0x5];
	s14 =	sadd.s32 $0x1, s14  }
0x29: {  	p0 =	sne.s32 s14, s26  }
.Ltmp1:
0x2a: {  	_ = 	snop;
	(pc) =	sbr.rel @!p0 .LBB2_21-.Ltmp1, $3  }
0x2b: {  	_ =	sdelay $0x1  }
0x2c: {  	[sflag:s13] =	ssyncset.done $0x0  }
0x2d: {  	[sflag:s13] =	ssyncadd.s32 $0xFFFFE700  }
.LBB2_1:
0x2e: {  	[dreg:$0x6] =	wrdreg s14  }
0x2f: {  	s7 =	rddreg [dreg:$0x4];
	s13 =	simm.s32 $0x11  }
0x30: {  	[tilespmem:s3], [sflag:$0x11] =	stream.linear.gather [hbm4b:s7+s3], $0x6800, $0x38;
	[tilespmem:$0x16200] =	vst v63  }
0x31: {  	_ =	swait.ge [sflag:s13], $0x6800  }
0x32: {  	[sflag:s13] =	ssyncset.done $0x0  }
0x33: {  	s19 =	simm.s32 $0x6800;
	s17 =	rddreg [dreg:$0x3];
	[sflag:s13] =	ssyncadd.s32 $0xFFFF9800  }
0x34: {  	[tilespmem:s19], [sflag:$0x11] =	stream.linear.gather [hbm4b:s17+s3], $0x3200, $0x38;
	[tilespmem:$0x16200] =	vst v63  }
0x35: {  	_ =	swait.ge [sflag:s13], $0x3200  }
0x36: {  	[sflag:s13] =	ssyncset.done $0x0  }
0x37: {  	s21 =	simm.s32 $0x9A00;
	[sflag:s13] =	ssyncadd.s32 $0xFFFFCE00  }
0x38: {  	[tilespmem:s21], [sflag:$0x1] =	stream.indirect.gather [hbm4b:s4+s16], $0x40, s3, s16, $0xb8;
	[tilespmem:$0x16200] =	vst v63  }
0x39: {  	s23 =	simm.s32 $0x68;
	s26 =	simm.s32 $0xB300  }
0x3a: {  	[tilespmem:s26], [sflag:$0x2] =	stream.indirect.gather [hbm4b:s4+s16], $0x40, s23, s16, $0xb8;
	[tilespmem:$0x16200] =	vst v63  }
0x3b: {  	s14 =	simm.s32 $0xD0;
	s17 =	simm.s32 $0xCC00  }
0x3c: {  	[tilespmem:s17], [sflag:$0x3] =	stream.indirect.gather [hbm4b:s4+s16], $0x40, s14, s16, $0xb8;
	[tilespmem:$0x16200] =	vst v63  }
0x3d: {  	s19 =	simm.s32 $0x138;
	s21 =	simm.s32 $0xE500  }
0x3e: {  	[tilespmem:s21], [sflag:$0x4] =	stream.indirect.gather [hbm4b:s4+s16], $0x40, s19, s16, $0xb8;
	[tilespmem:$0x16200] =	vst v63  }
0x3f: {  	s23 =	simm.s32 $0x1A0  }
0x40: {  	[tilespmem:s25], [sflag:$0x5] =	stream.indirect.gather [hbm4b:s4+s16], $0x40, s23, s16, $0xb8;
	[tilespmem:$0x16200] =	vst v63  }
0x41: {  	s7 =	simm.s32 $0x0;
	s26 =	simm.s32 $0x208  }
0x42: {  	[tilespmem:s28], [sflag:$0x6] =	stream.indirect.gather [hbm4b:s4+s16], $0x40, s26, s16, $0xb8;
	[tilespmem:$0x16200] =	vst v63  }
.LBB2_2:
0x43: {  	_ =	swait.ge [sflag:s29], $0x1900  }
0x44: {  	[sflag:s29] =	ssyncset.done $0x0  }
0x45: {  	s13 =	simm.s32 $0x0;
	s14 =	simm.s32 $0x200;
	[sflag:s29] =	ssyncadd.s32 $0xFFFFE700  }
.LBB2_3:
0x46: {  	p0 =	sne.s32 s14, $0x6200;
	v0 =	vld [tilespmem:s13+$0x6870]  }
0x47: {  	v1 =	vld [tilespmem:s13+$0x6800]  }
0x48: {  	v2 =	vld [tilespmem:s13+$0x6810]  }
0x49: {  	v3 =	vld [tilespmem:s13+$0x6820]  }
0x4a: {  	v4 =	vld [tilespmem:s13+$0x6830]  }
0x4b: {  	[tilespmem:s13+$0x9A70] =	vst.add.f32.msk $0xffff, v0  }
0x4c: {  	v0 =	vld [tilespmem:s13+$0x6840]  }
0x4d: {  	v5 =	vld [tilespmem:s13+$0x6850]  }
0x4e: {  	v6 =	vld [tilespmem:s13+$0x6860]  }
0x4f: {  	[tilespmem:s13+$0x9A00] =	vst.add.f32.msk $0xffff, v1  }
0x50: {  	[tilespmem:s13+$0x9A10] =	vst.add.f32.msk $0xffff, v2  }
.Ltmp2:
0x51: {  	[tilespmem:s13+$0x9A20] =	vst.add.f32.msk $0xffff, v3;
	(pc) =	sbr.rel @p0 .LBB2_3-.Ltmp2, $4  }
0x52: {  	[tilespmem:s13+$0x9A30] =	vst.add.f32.msk $0xffff, v4  }
0x53: {  	[tilespmem:s13+$0x9A40] =	vst.add.f32.msk $0xffff, v0  }
0x54: {  	[tilespmem:s13+$0x9A50] =	vst.add.f32.msk $0xffff, v5  }
0x55: {  	[tilespmem:s13+$0x9A60] =	vst.add.f32.msk $0xffff, v6;
	s13 =	sshra.s32 s14, $0x2;
	s14 =	sadd.s32 $0x200, s14  }
0x56: {  	v0 =	vld [tilespmem:s13+$0x6870]  }
0x57: {  	v1 =	vld [tilespmem:s13+$0x6800]  }
0x58: {  	v2 =	vld [tilespmem:s13+$0x6810]  }
0x59: {  	v3 =	vld [tilespmem:s13+$0x6820]  }
0x5a: {  	v4 =	vld [tilespmem:s13+$0x6830]  }
0x5b: {  	v63 =	vld [tilespmem:s13+$0x6840]  }
0x5c: {  	v5 =	vld [tilespmem:s13+$0x6850]  }
0x5d: {  	v6 =	vld [tilespmem:s13+$0x6860]  }
0x5e: {  	[tilespmem:s13+$0x9A70] =	vst.add.f32.msk $0xffff, v0  }
0x5f: {  	[tilespmem:s13+$0x9A00] =	vst.add.f32.msk $0xffff, v1  }
0x60: {  	[tilespmem:s13+$0x9A10] =	vst.add.f32.msk $0xffff, v2  }
0x61: {  	s26 =	smul.u32 $0x320, s7;
	[tilespmem:s13+$0x9A20] =	vst.add.f32.msk $0xffff, v3  }
0x62: {  	[tilespmem:s13+$0x9A30] =	vst.add.f32.msk $0xffff, v4  }
0x63: {  	s14 =	sadd.s32 s5, s26;
	[tilespmem:s13+$0x9A40] =	vst.add.f32.msk $0xffff, v63  }
0x64: {  	s21 =	simm.s32 $0x9A00;
	s14 =	sshll.u32 s14, $0x3;
	[tilespmem:s13+$0x9A50] =	vst.add.f32.msk $0xffff, v5  }
0x65: {  	p0 =	seq.s32 s7, $0x0;
	s19 =	sadd.s32 s2, s14;
	[tilespmem:s13+$0x9A60] =	vst.add.f32.msk $0xffff, v6;
	s13 =	sshll.u32 s7, $0x3  }
0x66: {  	[hbm4b:s19+s3] =	stream.linear.scatter [tilespmem:s21], [sflag:$0x9], $0x1900, $0x38;
	[tilespmem:$0x16200] =	vst v63  }
0x67: {  	s17 =	simm.s32 @!p0 $0xF;
	s14 =	sor.u32 $0x6, s13  }
0x68: {  	_ =	swait.ge @!p0 [sflag:s17], $0x1900;
	s19 =	smul.u32 $0x1A0, s14  }
0x69: {  	[sflag:s17] =	ssyncset.done @!p0 $0x0  }
0x6a: {  	[sflag:s17] =	ssyncadd.s32 @!p0 $0xFFFFE700;
	s23 =	sshra.s32 s19, $0x2  }
0x6b: {  	[tilespmem:s30], [sflag:$0x7] =	stream.indirect.gather [hbm4b:s4+s16], $0x40, s23, s16, $0xb8;
	[tilespmem:$0x16200] =	vst v63  }
0x6c: {  	_ =	swait.ge [sflag:s31], $0x1900  }
0x6d: {  	[sflag:s31] =	ssyncset.done $0x0  }
0x6e: {  	s17 =	simm.s32 $0x0;
	s19 =	simm.s32 $0x200;
	[sflag:s31] =	ssyncadd.s32 $0xFFFFE700  }
.LBB2_5:
0x6f: {  	p1 =	sne.s32 s19, $0x6200;
	v0 =	vld [tilespmem:s17+$0x8170]  }
0x70: {  	v1 =	vld [tilespmem:s17+$0x8100]  }
0x71: {  	v2 =	vld [tilespmem:s17+$0x8110]  }
0x72: {  	v3 =	vld [tilespmem:s17+$0x8120]  }
0x73: {  	v4 =	vld [tilespmem:s17+$0x8130]  }
0x74: {  	[tilespmem:s17+$0xB370] =	vst.add.f32.msk $0xffff, v0  }
0x75: {  	v0 =	vld [tilespmem:s17+$0x8140]  }
0x76: {  	v5 =	vld [tilespmem:s17+$0x8150]  }
0x77: {  	v6 =	vld [tilespmem:s17+$0x8160]  }
0x78: {  	[tilespmem:s17+$0xB300] =	vst.add.f32.msk $0xffff, v1  }
0x79: {  	[tilespmem:s17+$0xB310] =	vst.add.f32.msk $0xffff, v2  }
.Ltmp3:
0x7a: {  	[tilespmem:s17+$0xB320] =	vst.add.f32.msk $0xffff, v3;
	(pc) =	sbr.rel @p1 .LBB2_5-.Ltmp3, $4  }
0x7b: {  	[tilespmem:s17+$0xB330] =	vst.add.f32.msk $0xffff, v4  }
0x7c: {  	[tilespmem:s17+$0xB340] =	vst.add.f32.msk $0xffff, v0  }
0x7d: {  	[tilespmem:s17+$0xB350] =	vst.add.f32.msk $0xffff, v5  }
0x7e: {  	[tilespmem:s17+$0xB360] =	vst.add.f32.msk $0xffff, v6;
	s17 =	sshra.s32 s19, $0x2;
	s19 =	sadd.s32 $0x200, s19  }
0x7f: {  	v0 =	vld [tilespmem:s17+$0x8170]  }
0x80: {  	v1 =	vld [tilespmem:s17+$0x8100]  }
0x81: {  	v2 =	vld [tilespmem:s17+$0x8110]  }
0x82: {  	v3 =	vld [tilespmem:s17+$0x8120]  }
0x83: {  	v4 =	vld [tilespmem:s17+$0x8130]  }
0x84: {  	v63 =	vld [tilespmem:s17+$0x8140]  }
0x85: {  	v5 =	vld [tilespmem:s17+$0x8150]  }
0x86: {  	v6 =	vld [tilespmem:s17+$0x8160]  }
0x87: {  	[tilespmem:s17+$0xB370] =	vst.add.f32.msk $0xffff, v0  }
0x88: {  	[tilespmem:s17+$0xB300] =	vst.add.f32.msk $0xffff, v1  }
0x89: {  	[tilespmem:s17+$0xB310] =	vst.add.f32.msk $0xffff, v2  }
0x8a: {  	[tilespmem:s17+$0xB320] =	vst.add.f32.msk $0xffff, v3  }
0x8b: {  	s19 =	sadd.s32 s26, s8;
	[tilespmem:s17+$0xB330] =	vst.add.f32.msk $0xffff, v4  }
0x8c: {  	s19 =	sshll.u32 s19, $0x3;
	[tilespmem:s17+$0xB340] =	vst.add.f32.msk $0xffff, v63  }
0x8d: {  	s23 =	simm.s32 $0xB300;
	s19 =	sand.u32 $0x1FFFFF20, s19;
	[tilespmem:s17+$0xB350] =	vst.add.f32.msk $0xffff, v5  }
0x8e: {  	s13 =	sor.u32 $0x7, s13;
	s21 =	sadd.s32 s2, s19;
	[tilespmem:s17+$0xB360] =	vst.add.f32.msk $0xffff, v6;
	s17 =	simm.s32 @!p0 $0x10  }
0x8f: {  	[hbm4b:s21+s3] =	stream.linear.scatter [tilespmem:s23], [sflag:$0xA], $0x1900, $0x38;
	[tilespmem:$0x16200] =	vst v63  }
0x90: {  	s21 =	smul.u32 $0x1A0, s13;
	_ =	swait.ge @!p0 [sflag:s17], $0x1900  }
0x91: {  	[sflag:s17] =	ssyncset.done @!p0 $0x0  }
0x92: {  	s23 =	sshra.s32 s21, $0x2;
	[sflag:s17] =	ssyncadd.s32 @!p0 $0xFFFFE700  }
0x93: {  	[tilespmem:s1], [sflag:$0x8] =	stream.indirect.gather [hbm4b:s4+s16], $0x40, s23, s16, $0xb8;
	[tilespmem:$0x16200] =	vst v63  }
0x94: {  	_ =	swait.ge [sflag:s0], $0x1900  }
0x95: {  	[sflag:s0] =	ssyncset.done $0x0  }
0x96: {  	s19 =	simm.s32 $0x200;
	s17 =	simm.s32 $0x0;
	[sflag:s0] =	ssyncadd.s32 $0xFFFFE700  }
.LBB2_7:
0x97: {  	p0 =	sne.s32 s19, $0x6200;
	v0 =	vld [tilespmem:s17+$0x6870]  }
0x98: {  	v1 =	vld [tilespmem:s17+$0x6800]  }
0x99: {  	v2 =	vld [tilespmem:s17+$0x6810]  }
0x9a: {  	v3 =	vld [tilespmem:s17+$0x6820]  }
0x9b: {  	v4 =	vld [tilespmem:s17+$0x6830]  }
0x9c: {  	[tilespmem:s17+$0xCC70] =	vst.add.f32.msk $0xffff, v0  }
0x9d: {  	v0 =	vld [tilespmem:s17+$0x6840]  }
0x9e: {  	v5 =	vld [tilespmem:s17+$0x6850]  }
0x9f: {  	v6 =	vld [tilespmem:s17+$0x6860]  }
0xa0: {  	[tilespmem:s17+$0xCC00] =	vst.add.f32.msk $0xffff, v1  }
0xa1: {  	[tilespmem:s17+$0xCC10] =	vst.add.f32.msk $0xffff, v2  }
.Ltmp4:
0xa2: {  	[tilespmem:s17+$0xCC20] =	vst.add.f32.msk $0xffff, v3;
	(pc) =	sbr.rel @p0 .LBB2_7-.Ltmp4, $4  }
0xa3: {  	[tilespmem:s17+$0xCC30] =	vst.add.f32.msk $0xffff, v4  }
0xa4: {  	[tilespmem:s17+$0xCC40] =	vst.add.f32.msk $0xffff, v0  }
0xa5: {  	[tilespmem:s17+$0xCC50] =	vst.add.f32.msk $0xffff, v5  }
0xa6: {  	[tilespmem:s17+$0xCC60] =	vst.add.f32.msk $0xffff, v6;
	s17 =	sshra.s32 s19, $0x2;
	s19 =	sadd.s32 $0x200, s19  }
0xa7: {  	v0 =	vld [tilespmem:s17+$0x6870]  }
0xa8: {  	v1 =	vld [tilespmem:s17+$0x6800]  }
0xa9: {  	v2 =	vld [tilespmem:s17+$0x6810]  }
0xaa: {  	v3 =	vld [tilespmem:s17+$0x6820]  }
0xab: {  	v4 =	vld [tilespmem:s17+$0x6830]  }
0xac: {  	v63 =	vld [tilespmem:s17+$0x6840]  }
0xad: {  	v5 =	vld [tilespmem:s17+$0x6850]  }
0xae: {  	v6 =	vld [tilespmem:s17+$0x6860]  }
0xaf: {  	[tilespmem:s17+$0xCC70] =	vst.add.f32.msk $0xffff, v0  }
0xb0: {  	[tilespmem:s17+$0xCC00] =	vst.add.f32.msk $0xffff, v1  }
0xb1: {  	[tilespmem:s17+$0xCC10] =	vst.add.f32.msk $0xffff, v2  }
0xb2: {  	[tilespmem:s17+$0xCC20] =	vst.add.f32.msk $0xffff, v3  }
0xb3: {  	s19 =	sadd.s32 s26, s9;
	[tilespmem:s17+$0xCC30] =	vst.add.f32.msk $0xffff, v4  }
0xb4: {  	s19 =	sshll.u32 s19, $0x3;
	[tilespmem:s17+$0xCC40] =	vst.add.f32.msk $0xffff, v63  }
0xb5: {  	p0 =	seq.s32 s7, $0x1F;
	s19 =	sand.u32 $0x1FFFFF40, s19;
	[tilespmem:s17+$0xCC50] =	vst.add.f32.msk $0xffff, v5  }
0xb6: {  	s23 =	simm.s32 $0xCC00;
	s21 =	sadd.s32 s2, s19;
	[tilespmem:s17+$0xCC60] =	vst.add.f32.msk $0xffff, v6;
	s17 =	simm.s32 @!p0 $0x9  }
0xb7: {  	[hbm4b:s21+s3] =	stream.linear.scatter [tilespmem:s23], [sflag:$0xB], $0x1900, $0x38;
	[tilespmem:$0x16200] =	vst v63  }
0xb8: {  	s19 =	smul.u32 @!p0 $0xD00, s7;
	_ =	swait.ge @!p0 [sflag:s17], $0x1900  }
0xb9: {  	[sflag:s17] =	ssyncset.done @!p0 $0x0  }
0xba: {  	[sflag:s17] =	ssyncadd.s32 @!p0 $0xFFFFE700;
	s17 =	sshra.s32 @!p0 s19, $0x2  }
0xbb: {  	s21 =	simm.s32 @!p0 $0x64;
	s23 =	simm.s32 @!p0 $0x9A00;
	s19 =	sadd.s32 @!p0 $0x340, s17  }
0xbc: {  	[tilespmem:s23], [sflag:$0x1] =	stream.indirect.gather @!p0 [hbm4b:s4+s21], $0x40, s19, s21, $0xb8;
	[tilespmem:$0x16200] =	vst v63  }
0xbd: {  	_ =	swait.ge [sflag:s15], $0x1900  }
0xbe: {  	[sflag:s15] =	ssyncset.done $0x0  }
0xbf: {  	s19 =	simm.s32 $0x0;
	s21 =	simm.s32 $0x200;
	[sflag:s15] =	ssyncadd.s32 $0xFFFFE700  }
.LBB2_9:
0xc0: {  	p1 =	sne.s32 s21, $0x6200;
	v0 =	vld [tilespmem:s19+$0x8170]  }
0xc1: {  	v1 =	vld [tilespmem:s19+$0x8100]  }
0xc2: {  	v2 =	vld [tilespmem:s19+$0x8110]  }
0xc3: {  	v3 =	vld [tilespmem:s19+$0x8120]  }
0xc4: {  	v4 =	vld [tilespmem:s19+$0x8130]  }
0xc5: {  	[tilespmem:s19+$0xE570] =	vst.add.f32.msk $0xffff, v0  }
0xc6: {  	v0 =	vld [tilespmem:s19+$0x8140]  }
0xc7: {  	v5 =	vld [tilespmem:s19+$0x8150]  }
0xc8: {  	v6 =	vld [tilespmem:s19+$0x8160]  }
0xc9: {  	[tilespmem:s19+$0xE500] =	vst.add.f32.msk $0xffff, v1  }
0xca: {  	[tilespmem:s19+$0xE510] =	vst.add.f32.msk $0xffff, v2  }
.Ltmp5:
0xcb: {  	[tilespmem:s19+$0xE520] =	vst.add.f32.msk $0xffff, v3;
	(pc) =	sbr.rel @p1 .LBB2_9-.Ltmp5, $4  }
0xcc: {  	[tilespmem:s19+$0xE530] =	vst.add.f32.msk $0xffff, v4  }
0xcd: {  	[tilespmem:s19+$0xE540] =	vst.add.f32.msk $0xffff, v0  }
0xce: {  	[tilespmem:s19+$0xE550] =	vst.add.f32.msk $0xffff, v5  }
0xcf: {  	[tilespmem:s19+$0xE560] =	vst.add.f32.msk $0xffff, v6;
	s19 =	sshra.s32 s21, $0x2;
	s21 =	sadd.s32 $0x200, s21  }
0xd0: {  	v0 =	vld [tilespmem:s19+$0x8170]  }
0xd1: {  	v1 =	vld [tilespmem:s19+$0x8100]  }
0xd2: {  	v2 =	vld [tilespmem:s19+$0x8110]  }
0xd3: {  	v3 =	vld [tilespmem:s19+$0x8120]  }
0xd4: {  	v4 =	vld [tilespmem:s19+$0x8130]  }
0xd5: {  	v63 =	vld [tilespmem:s19+$0x8140]  }
0xd6: {  	v5 =	vld [tilespmem:s19+$0x8150]  }
0xd7: {  	v6 =	vld [tilespmem:s19+$0x8160]  }
0xd8: {  	[tilespmem:s19+$0xE570] =	vst.add.f32.msk $0xffff, v0  }
0xd9: {  	[tilespmem:s19+$0xE500] =	vst.add.f32.msk $0xffff, v1  }
0xda: {  	[tilespmem:s19+$0xE510] =	vst.add.f32.msk $0xffff, v2  }
0xdb: {  	[tilespmem:s19+$0xE520] =	vst.add.f32.msk $0xffff, v3  }
0xdc: {  	s21 =	sadd.s32 s26, s10;
	[tilespmem:s19+$0xE530] =	vst.add.f32.msk $0xffff, v4  }
0xdd: {  	s21 =	sshll.u32 s21, $0x3;
	[tilespmem:s19+$0xE540] =	vst.add.f32.msk $0xffff, v63  }
0xde: {  	s21 =	sand.u32 $0x1FFFFF60, s21;
	[tilespmem:s19+$0xE550] =	vst.add.f32.msk $0xffff, v5  }
0xdf: {  	s23 =	simm.s32 $0xE500;
	s21 =	sadd.s32 s2, s21;
	[tilespmem:s19+$0xE560] =	vst.add.f32.msk $0xffff, v6;
	s19 =	simm.s32 @!p0 $0xA  }
0xe0: {  	[hbm4b:s21+s3] =	stream.linear.scatter [tilespmem:s23], [sflag:$0xC], $0x1900, $0x38;
	[tilespmem:$0x16200] =	vst v63  }
0xe1: {  	_ =	swait.ge @!p0 [sflag:s19], $0x1900  }
0xe2: {  	s21 =	simm.s32 @!p0 $0x64;
	[sflag:s19] =	ssyncset.done @!p0 $0x0  }
0xe3: {  	s23 =	simm.s32 @!p0 $0xB300;
	[sflag:s19] =	ssyncadd.s32 @!p0 $0xFFFFE700;
	s19 =	sadd.s32 @!p0 $0x3A8, s17  }
0xe4: {  	[tilespmem:s23], [sflag:$0x2] =	stream.indirect.gather @!p0 [hbm4b:s4+s21], $0x40, s19, s21, $0xb8;
	[tilespmem:$0x16200] =	vst v63  }
0xe5: {  	_ =	swait.ge [sflag:s18], $0x1900  }
0xe6: {  	[sflag:s18] =	ssyncset.done $0x0  }
0xe7: {  	s19 =	simm.s32 $0x0;
	s21 =	simm.s32 $0x200;
	[sflag:s18] =	ssyncadd.s32 $0xFFFFE700  }
.LBB2_11:
0xe8: {  	p1 =	sne.s32 s21, $0x6200;
	v0 =	vld [tilespmem:s19+$0x6870]  }
0xe9: {  	v1 =	vld [tilespmem:s19+$0x6800]  }
0xea: {  	v2 =	vld [tilespmem:s19+$0x6810]  }
0xeb: {  	v3 =	vld [tilespmem:s19+$0x6820]  }
0xec: {  	v4 =	vld [tilespmem:s19+$0x6830]  }
0xed: {  	[tilespmem:s19+$0xFE70] =	vst.add.f32.msk $0xffff, v0  }
0xee: {  	v0 =	vld [tilespmem:s19+$0x6840]  }
0xef: {  	v5 =	vld [tilespmem:s19+$0x6850]  }
0xf0: {  	v6 =	vld [tilespmem:s19+$0x6860]  }
0xf1: {  	[tilespmem:s19+$0xFE00] =	vst.add.f32.msk $0xffff, v1  }
0xf2: {  	[tilespmem:s19+$0xFE10] =	vst.add.f32.msk $0xffff, v2  }
.Ltmp6:
0xf3: {  	[tilespmem:s19+$0xFE20] =	vst.add.f32.msk $0xffff, v3;
	(pc) =	sbr.rel @p1 .LBB2_11-.Ltmp6, $4  }
0xf4: {  	[tilespmem:s19+$0xFE30] =	vst.add.f32.msk $0xffff, v4  }
0xf5: {  	[tilespmem:s19+$0xFE40] =	vst.add.f32.msk $0xffff, v0  }
0xf6: {  	[tilespmem:s19+$0xFE50] =	vst.add.f32.msk $0xffff, v5  }
0xf7: {  	[tilespmem:s19+$0xFE60] =	vst.add.f32.msk $0xffff, v6;
	s19 =	sshra.s32 s21, $0x2;
	s21 =	sadd.s32 $0x200, s21  }
0xf8: {  	v0 =	vld [tilespmem:s19+$0x6870]  }
0xf9: {  	v1 =	vld [tilespmem:s19+$0x6800]  }
0xfa: {  	v2 =	vld [tilespmem:s19+$0x6810]  }
0xfb: {  	v3 =	vld [tilespmem:s19+$0x6820]  }
0xfc: {  	v4 =	vld [tilespmem:s19+$0x6830]  }
0xfd: {  	v63 =	vld [tilespmem:s19+$0x6840]  }
0xfe: {  	v5 =	vld [tilespmem:s19+$0x6850]  }
0xff: {  	v6 =	vld [tilespmem:s19+$0x6860]  }
0x100: {  	[tilespmem:s19+$0xFE70] =	vst.add.f32.msk $0xffff, v0  }
0x101: {  	[tilespmem:s19+$0xFE00] =	vst.add.f32.msk $0xffff, v1  }
0x102: {  	[tilespmem:s19+$0xFE10] =	vst.add.f32.msk $0xffff, v2  }
0x103: {  	[tilespmem:s19+$0xFE20] =	vst.add.f32.msk $0xffff, v3  }
0x104: {  	s21 =	sadd.s32 s26, s11;
	[tilespmem:s19+$0xFE30] =	vst.add.f32.msk $0xffff, v4  }
0x105: {  	s21 =	sshll.u32 s21, $0x3;
	[tilespmem:s19+$0xFE40] =	vst.add.f32.msk $0xffff, v63  }
0x106: {  	s21 =	sand.u32 $0x1FFFFF80, s21;
	[tilespmem:s19+$0xFE50] =	vst.add.f32.msk $0xffff, v5  }
0x107: {  	s23 =	sadd.s32 s2, s21;
	[tilespmem:s19+$0xFE60] =	vst.add.f32.msk $0xffff, v6;
	s19 =	simm.s32 @!p0 $0xB  }
0x108: {  	[hbm4b:s23+s3] =	stream.linear.scatter [tilespmem:s25], [sflag:$0xD], $0x1900, $0x38;
	[tilespmem:$0x16200] =	vst v63  }
0x109: {  	_ =	swait.ge @!p0 [sflag:s19], $0x1900  }
0x10a: {  	s21 =	simm.s32 @!p0 $0x64;
	[sflag:s19] =	ssyncset.done @!p0 $0x0  }
0x10b: {  	s23 =	simm.s32 @!p0 $0xCC00;
	[sflag:s19] =	ssyncadd.s32 @!p0 $0xFFFFE700;
	s19 =	sadd.s32 @!p0 $0x410, s17  }
0x10c: {  	[tilespmem:s23], [sflag:$0x3] =	stream.indirect.gather @!p0 [hbm4b:s4+s21], $0x40, s19, s21, $0xb8;
	[tilespmem:$0x16200] =	vst v63  }
0x10d: {  	_ =	swait.ge [sflag:s20], $0x1900  }
0x10e: {  	[sflag:s20] =	ssyncset.done $0x0  }
0x10f: {  	s19 =	simm.s32 $0x0;
	s21 =	simm.s32 $0x200;
	[sflag:s20] =	ssyncadd.s32 $0xFFFFE700  }
.LBB2_13:
0x110: {  	p1 =	sne.s32 s21, $0x6200;
	v0 =	vld [tilespmem:s19+$0x8170]  }
0x111: {  	v1 =	vld [tilespmem:s19+$0x8100]  }
0x112: {  	v2 =	vld [tilespmem:s19+$0x8110]  }
0x113: {  	v3 =	vld [tilespmem:s19+$0x8120]  }
0x114: {  	v4 =	vld [tilespmem:s19+$0x8130]  }
0x115: {  	[tilespmem:s19+$0x11770] =	vst.add.f32.msk $0xffff, v0  }
0x116: {  	v0 =	vld [tilespmem:s19+$0x8140]  }
0x117: {  	v5 =	vld [tilespmem:s19+$0x8150]  }
0x118: {  	v6 =	vld [tilespmem:s19+$0x8160]  }
0x119: {  	[tilespmem:s19+$0x11700] =	vst.add.f32.msk $0xffff, v1  }
0x11a: {  	[tilespmem:s19+$0x11710] =	vst.add.f32.msk $0xffff, v2  }
.Ltmp7:
0x11b: {  	[tilespmem:s19+$0x11720] =	vst.add.f32.msk $0xffff, v3;
	(pc) =	sbr.rel @p1 .LBB2_13-.Ltmp7, $4  }
0x11c: {  	[tilespmem:s19+$0x11730] =	vst.add.f32.msk $0xffff, v4  }
0x11d: {  	[tilespmem:s19+$0x11740] =	vst.add.f32.msk $0xffff, v0  }
0x11e: {  	[tilespmem:s19+$0x11750] =	vst.add.f32.msk $0xffff, v5  }
0x11f: {  	[tilespmem:s19+$0x11760] =	vst.add.f32.msk $0xffff, v6;
	s19 =	sshra.s32 s21, $0x2;
	s21 =	sadd.s32 $0x200, s21  }
0x120: {  	v0 =	vld [tilespmem:s19+$0x8170]  }
0x121: {  	v1 =	vld [tilespmem:s19+$0x8100]  }
0x122: {  	v2 =	vld [tilespmem:s19+$0x8110]  }
0x123: {  	v3 =	vld [tilespmem:s19+$0x8120]  }
0x124: {  	v4 =	vld [tilespmem:s19+$0x8130]  }
0x125: {  	v63 =	vld [tilespmem:s19+$0x8140]  }
0x126: {  	v5 =	vld [tilespmem:s19+$0x8150]  }
0x127: {  	v6 =	vld [tilespmem:s19+$0x8160]  }
0x128: {  	[tilespmem:s19+$0x11770] =	vst.add.f32.msk $0xffff, v0  }
0x129: {  	[tilespmem:s19+$0x11700] =	vst.add.f32.msk $0xffff, v1  }
0x12a: {  	[tilespmem:s19+$0x11710] =	vst.add.f32.msk $0xffff, v2  }
0x12b: {  	[tilespmem:s19+$0x11720] =	vst.add.f32.msk $0xffff, v3  }
0x12c: {  	s21 =	sadd.s32 s26, s12;
	[tilespmem:s19+$0x11730] =	vst.add.f32.msk $0xffff, v4  }
0x12d: {  	s21 =	sshll.u32 s21, $0x3;
	[tilespmem:s19+$0x11740] =	vst.add.f32.msk $0xffff, v63  }
0x12e: {  	s21 =	sand.u32 $0x1FFFFFA0, s21;
	[tilespmem:s19+$0x11750] =	vst.add.f32.msk $0xffff, v5  }
0x12f: {  	s26 =	sadd.s32 s2, s21;
	[tilespmem:s19+$0x11760] =	vst.add.f32.msk $0xffff, v6;
	s19 =	simm.s32 @!p0 $0xC  }
0x130: {  	[hbm4b:s26+s3] =	stream.linear.scatter [tilespmem:s28], [sflag:$0xE], $0x1900, $0x38;
	[tilespmem:$0x16200] =	vst v63  }
0x131: {  	_ =	swait.ge @!p0 [sflag:s19], $0x1900  }
0x132: {  	s23 =	simm.s32 @!p0 $0xE500;
	[sflag:s19] =	ssyncset.done @!p0 $0x0  }
0x133: {  	s21 =	simm.s32 @!p0 $0x64;
	[sflag:s19] =	ssyncadd.s32 @!p0 $0xFFFFE700;
	s19 =	sadd.s32 @!p0 $0x478, s17  }
0x134: {  	[tilespmem:s23], [sflag:$0x4] =	stream.indirect.gather @!p0 [hbm4b:s4+s21], $0x40, s19, s21, $0xb8;
	[tilespmem:$0x16200] =	vst v63  }
0x135: {  	_ =	swait.ge [sflag:s22], $0x1900  }
0x136: {  	[sflag:s22] =	ssyncset.done $0x0  }
0x137: {  	s26 =	simm.s32 $0x0;
	s19 =	simm.s32 $0x200;
	[sflag:s22] =	ssyncadd.s32 $0xFFFFE700  }
.LBB2_15:
0x138: {  	p1 =	sne.s32 s19, $0x6200;
	v0 =	vld [tilespmem:s26+$0x6870]  }
0x139: {  	v1 =	vld [tilespmem:s26+$0x6800]  }
0x13a: {  	v2 =	vld [tilespmem:s26+$0x6810]  }
0x13b: {  	v3 =	vld [tilespmem:s26+$0x6820]  }
0x13c: {  	v4 =	vld [tilespmem:s26+$0x6830]  }
0x13d: {  	[tilespmem:s26+$0x13070] =	vst.add.f32.msk $0xffff, v0  }
0x13e: {  	v0 =	vld [tilespmem:s26+$0x6840]  }
0x13f: {  	v5 =	vld [tilespmem:s26+$0x6850]  }
0x140: {  	v6 =	vld [tilespmem:s26+$0x6860]  }
0x141: {  	[tilespmem:s26+$0x13000] =	vst.add.f32.msk $0xffff, v1  }
0x142: {  	[tilespmem:s26+$0x13010] =	vst.add.f32.msk $0xffff, v2  }
.Ltmp8:
0x143: {  	[tilespmem:s26+$0x13020] =	vst.add.f32.msk $0xffff, v3;
	(pc) =	sbr.rel @p1 .LBB2_15-.Ltmp8, $4  }
0x144: {  	[tilespmem:s26+$0x13030] =	vst.add.f32.msk $0xffff, v4  }
0x145: {  	[tilespmem:s26+$0x13040] =	vst.add.f32.msk $0xffff, v0  }
0x146: {  	[tilespmem:s26+$0x13050] =	vst.add.f32.msk $0xffff, v5  }
0x147: {  	[tilespmem:s26+$0x13060] =	vst.add.f32.msk $0xffff, v6;
	s26 =	sshra.s32 s19, $0x2;
	s19 =	sadd.s32 $0x200, s19  }
0x148: {  	v0 =	vld [tilespmem:s26+$0x6870]  }
0x149: {  	v1 =	vld [tilespmem:s26+$0x6800]  }
0x14a: {  	v2 =	vld [tilespmem:s26+$0x6810]  }
0x14b: {  	v3 =	vld [tilespmem:s26+$0x6820]  }
0x14c: {  	v4 =	vld [tilespmem:s26+$0x6830]  }
0x14d: {  	v63 =	vld [tilespmem:s26+$0x6840]  }
0x14e: {  	v5 =	vld [tilespmem:s26+$0x6850]  }
0x14f: {  	v6 =	vld [tilespmem:s26+$0x6860]  }
0x150: {  	[tilespmem:s26+$0x13070] =	vst.add.f32.msk $0xffff, v0  }
0x151: {  	[tilespmem:s26+$0x13000] =	vst.add.f32.msk $0xffff, v1  }
0x152: {  	s14 =	smul.u32 $0x64, s14;
	[tilespmem:s26+$0x13010] =	vst.add.f32.msk $0xffff, v2  }
0x153: {  	[tilespmem:s26+$0x13020] =	vst.add.f32.msk $0xffff, v3  }
0x154: {  	s14 =	sadd.s32 s5, s14;
	[tilespmem:s26+$0x13030] =	vst.add.f32.msk $0xffff, v4  }
0x155: {  	s14 =	sshll.u32 s14, $0x3;
	[tilespmem:s26+$0x13040] =	vst.add.f32.msk $0xffff, v63  }
0x156: {  	s14 =	sand.u32 $0x1FFFFFC0, s14;
	[tilespmem:s26+$0x13050] =	vst.add.f32.msk $0xffff, v5  }
0x157: {  	[tilespmem:s26+$0x13060] =	vst.add.f32.msk $0xffff, v6;
	s14 =	sadd.s32 s2, s14  }
0x158: {  	[hbm4b:s14+s3] =	stream.linear.scatter [tilespmem:s30], [sflag:$0xF], $0x1900, $0x38;
	[tilespmem:$0x16200] =	vst v63  }
0x159: {  	s14 =	simm.s32 @!p0 $0xD  }
0x15a: {  	_ =	swait.ge @!p0 [sflag:s14], $0x1900  }
0x15b: {  	s19 =	simm.s32 @!p0 $0xFE00;
	[sflag:s14] =	ssyncset.done @!p0 $0x0  }
0x15c: {  	[sflag:s14] =	ssyncadd.s32 @!p0 $0xFFFFE700;
	s14 =	sadd.s32 @!p0 $0x4E0, s17;
	s17 =	simm.s32 @!p0 $0x64  }
0x15d: {  	[tilespmem:s19], [sflag:$0x5] =	stream.indirect.gather @!p0 [hbm4b:s4+s17], $0x40, s14, s17, $0xb8;
	[tilespmem:$0x16200] =	vst v63  }
0x15e: {  	_ =	swait.ge [sflag:s24], $0x1900  }
0x15f: {  	[sflag:s24] =	ssyncset.done $0x0  }
0x160: {  	s14 =	simm.s32 $0x0;
	s17 =	simm.s32 $0x200;
	[sflag:s24] =	ssyncadd.s32 $0xFFFFE700  }
.LBB2_17:
0x161: {  	p1 =	sne.s32 s17, $0x6200;
	v0 =	vld [tilespmem:s14+$0x8170]  }
0x162: {  	v1 =	vld [tilespmem:s14+$0x8100]  }
0x163: {  	v2 =	vld [tilespmem:s14+$0x8110]  }
0x164: {  	v3 =	vld [tilespmem:s14+$0x8120]  }
0x165: {  	v4 =	vld [tilespmem:s14+$0x8130]  }
0x166: {  	[tilespmem:s14+$0x14970] =	vst.add.f32.msk $0xffff, v0  }
0x167: {  	v0 =	vld [tilespmem:s14+$0x8140]  }
0x168: {  	v5 =	vld [tilespmem:s14+$0x8150]  }
0x169: {  	v6 =	vld [tilespmem:s14+$0x8160]  }
0x16a: {  	[tilespmem:s14+$0x14900] =	vst.add.f32.msk $0xffff, v1  }
0x16b: {  	[tilespmem:s14+$0x14910] =	vst.add.f32.msk $0xffff, v2  }
.Ltmp9:
0x16c: {  	[tilespmem:s14+$0x14920] =	vst.add.f32.msk $0xffff, v3;
	(pc) =	sbr.rel @p1 .LBB2_17-.Ltmp9, $4  }
0x16d: {  	[tilespmem:s14+$0x14930] =	vst.add.f32.msk $0xffff, v4  }
0x16e: {  	[tilespmem:s14+$0x14940] =	vst.add.f32.msk $0xffff, v0  }
0x16f: {  	[tilespmem:s14+$0x14950] =	vst.add.f32.msk $0xffff, v5  }
0x170: {  	[tilespmem:s14+$0x14960] =	vst.add.f32.msk $0xffff, v6;
	s14 =	sshra.s32 s17, $0x2;
	s17 =	sadd.s32 $0x200, s17  }
0x171: {  	v0 =	vld [tilespmem:s14+$0x8170]  }
0x172: {  	v1 =	vld [tilespmem:s14+$0x8100]  }
0x173: {  	v2 =	vld [tilespmem:s14+$0x8110]  }
0x174: {  	v3 =	vld [tilespmem:s14+$0x8120]  }
0x175: {  	v4 =	vld [tilespmem:s14+$0x8130]  }
0x176: {  	v63 =	vld [tilespmem:s14+$0x8140]  }
0x177: {  	v5 =	vld [tilespmem:s14+$0x8150]  }
0x178: {  	v6 =	vld [tilespmem:s14+$0x8160]  }
0x179: {  	[tilespmem:s14+$0x14970] =	vst.add.f32.msk $0xffff, v0  }
0x17a: {  	[tilespmem:s14+$0x14900] =	vst.add.f32.msk $0xffff, v1  }
0x17b: {  	s13 =	smul.u32 $0x64, s13;
	[tilespmem:s14+$0x14910] =	vst.add.f32.msk $0xffff, v2  }
0x17c: {  	[tilespmem:s14+$0x14920] =	vst.add.f32.msk $0xffff, v3  }
.Ltmp10:
0x17d: {  	s13 =	sadd.s32 s5, s13;
	[tilespmem:s14+$0x14930] =	vst.add.f32.msk $0xffff, v4;
	(pc) =	sbr.rel @p0 .LBB2_20-.Ltmp10, $4  }
0x17e: {  	s13 =	sshll.u32 s13, $0x3;
	[tilespmem:s14+$0x14940] =	vst.add.f32.msk $0xffff, v63  }
0x17f: {  	s13 =	sand.u32 $0x1FFFFFE0, s13;
	[tilespmem:s14+$0x14950] =	vst.add.f32.msk $0xffff, v5  }
0x180: {  	[tilespmem:s14+$0x14960] =	vst.add.f32.msk $0xffff, v6;
	s13 =	sadd.s32 s2, s13  }
0x181: {  	[hbm4b:s13+s3] =	stream.linear.scatter [tilespmem:s1], [sflag:$0x10], $0x1900, $0x38;
	[tilespmem:$0x16200] =	vst v63  }
0x182: {  	s13 =	smul.u32 $0xD00, s7  }
.Ltmp11:
0x183: {  	_ = 	snop;
	(pc) =	sbr.rel .LBB2_2-.Ltmp11, $4  }
0x184: {  	_ =	swait.ge [sflag:s6], $0x1900  }
0x185: {  	[sflag:s6] =	ssyncset.done $0x0;
	s13 =	sshra.s32 s13, $0x2  }
0x186: {  	s7 =	sadd.s32 $0x1, s7;
	[sflag:s6] =	ssyncadd.s32 $0xFFFFE700;
	s13 =	sadd.s32 $0x548, s13  }
0x187: {  	[tilespmem:s28], [sflag:$0x6] =	stream.indirect.gather [hbm4b:s4+s16], $0x40, s13, s16, $0xb8;
	[tilespmem:$0x16200] =	vst v63  }
.LBB2_21:
0x188: {  	_ =	sfence.sel $0x180000  }
0x189: {  	[bflag:$0x0] =	sbarrier.arrive $0xFFFF  }
0x18a: {  	_ =	strace $0x90000047  }
0x18b: {  	s0 =	stileid.u32;
	[bflag:$0x2] =	sbarrier.arrive $0xFFFF  }
0x18c: {  	p0 =	sne.s32 s0, $0x0;
	s0 =	rddreg [dreg:$0x2]  }
0x18d: {  	s0 =	sadd.s32 @!p0 $0x100000, s0  }
0x18e: {  	[sflag:s0] =	ssyncadd.tile.s32 @!p0 $0x1;
	_ =	shalt  }
.Lfunc_end2:
_tile_overlayer_lowered:
.L_overlay_start_2:
0x18f: {  	(tag) =	ssettag $0x2  }
0x190: {  	s0 =	rddreg [dreg:$0x0];
	s2 =	stileid.u32  }
0x191: {  	s1 =	rddreg [dreg:$0x1];
	p0 =	sne.s32 s2, $0x0  }
0x192: {  	s3 =	rddreg [dreg:$0x2];
	[bflag:$0x3] =	sbarrier.arrive $0xFFFF;
	s2 =	simm.s32 @!p0 $0x1C11  }
0x193: {  	[timem:s3], [sflag:s2] =	dma.local @!p0 [hbm:s0], s1  }
0x194: {  	s0 =	simm.s32 @!p0 $0x11  }
0x195: {  	_ =	swait.ge @!p0 [sflag:s0], s1  }
0x196: {  	s1 =	ssub.s32 @!p0 $0x0, s1;
	[sflag:s0] =	ssyncset.done @!p0 $0x0  }
0x197: {  	[sflag:s0] =	ssyncadd.s32 @!p0 s1  }
0x198: {  	[bflag:$0x3] =	sbarrier.arrive $0xFFFF  }
0x199: {  	_ =	shalt  }

// kernel: sparse-core-data-format-call.cloned.1.call-start
scs
called_computation_lowered:
.L_overlay_start_0:
0x0: {  	s2 =	sld [smem:$0x3FD9]  }
0x1: {  	s3 =	sld [smem:$0x3FFE];
	_ =	sdelay $0x1  }
0x2: {  	s1 =	srdreg.scid  }
0x3: {  	s0 =	sand.u32 $0x1, s1  }
0x4: {  	s18 =	sshll.u32 s0, $0xA;
	s2 =	sadd.s32 s3, s2  }
0x5: {  	s2 =	sadd.s32 s2, s18  }
0x6: {  	[smem:$0x3FC6] =	sst s2  }
0x7: {  	_ = 	snop  }
0x8: {  	s2 =	sld [smem:$0x3FD0];
	(tm) =	ssettm $0x1  }
0x9: {  	s19 =	sld [smem:$0x3FFB];
	_ =	sdelay $0x3  }
0xa: {  	_ =	strace s19  }
0xb: {  	s3 =	sld [smem:$0x3FFC];
	_ =	sdelay $0x3  }
0xc: {  	_ =	strace s3  }
0xd: {  	s3 =	sld [smem:$0x3FFD];
	_ =	sdelay $0x3  }
0xe: {  	_ =	strace s3  }
0xf: {  	_ =	strace $0x8FFFFFFF  }
0x10: {  	s20 =	sld [smem:$0x3FDB];
	_ =	sdelay $0x1  }
0x11: {  	s4 =	simm.s32 $_scs_section_size  }
0x12: {  	s5 =	simm.s32 $_size__tile_overlayer_lowered;
	s6 =	simm.s32 $_tile_overlayer_lowered  }
0x13: {  	s23 =	simm.s32 $0x1BFF;
	s22 =	sshll.u32 s6, $0x1;
	s3 =	sadd.s32 s4, s20  }
0x14: {  	s7 =	simm.s32 $0x0;
	s21 =	sshll.u32 s5, $0x1;
	s5 =	sadd.s32 s22, s3  }
0x15: {  	[timem:s7], [sflag:s23] =	dma.local [hbm:s5], s21  }
0x16: {  	_ =	swait.ge [sflag:s23], s21  }
0x17: {  	s4 =	ssub.s32 $0x0, s21;
	[sflag:s23] =	ssyncset.done $0x0  }
0x18: {  	[sflag:s23] =	ssyncadd.s32 s4;
	_ =	sdelay $0x1  }
0x19: {  	s24 =	simm.s32 $0x1B8B  }
0x1a: {  	_ =	swait.ge [sflag:s24], $0x1  }
0x1b: {  	[sflag:s24] =	ssyncset.done $0x0  }
0x1c: {  	s26 =	simm.s32 $0x1B8E;
	s25 =	sld [smem:$0x3FFE];
	[sflag:s24] =	ssyncadd.s32 $0xFFFFFFFF  }
0x1d: {  	s27 =	simm.s32 $execute0_lowered;
	[smem:$0x3FD2] =	sst s26  }
0x1e: {  	s5 =	sshll.u32 s27, $0x1;
	_ =	strace $0x80000049;
	[dreg:$0x1] =	wrdreg $0xFFFFFFFF  }
0x1f: {  	s28 =	simm.s32 $_size_execute0_lowered;
	s3 =	sadd.s32 s3, s5;
	[dreg:$0x0] =	wrdreg $0x0  }
0x20: {  	s5 =	sshll.u32 s28, $0x1;
	[dreg:$0x2] =	wrdreg s3  }
0x21: {  	[dreg:$0x3] =	wrdreg s5  }
0x22: {  	[dreg:$0x4] =	wrdreg $0xC0  }
0x23: {  	_ =	task [dreg:s7], $0x5FFFF  }
0x24: {  	[dreg:$0x1] =	wrdreg $0xFFFFFFFF  }
0x25: {  	[dreg:$0x0] =	wrdreg $0x60  }
0x26: {  	[dreg:$0x2] =	wrdreg s25  }
0x27: {  	[dreg:$0x3] =	wrdreg s2  }
0x28: {  	[dreg:$0x4] =	wrdreg $0x9  }
0x29: {  	_ =	task.clear_ibuf [dreg:s7], $0x5FFFF;
	_ =	strace $0x90000049  }
0x2a: {  	s29 =	simm.s32 $0x9;
	_ =	strace $0x8000004B  }
0x2b: {  	_ =	swait.ge [sflag:s29], $0x1  }
0x2c: {  	[sflag:s29] =	ssyncadd.s32 $0xFFFFFFFF  }
0x2d: {  	_ =	strace $0x9000004B  }
0x2e: {  	_ =	sfence  }
0x2f: {  	s30 =	sld [smem:$0x0];
	_ =	sdelay $0x2  }
0x30: {  	s31 =	sshll.u32 s1, $0xD;
	s1 =	sshrl.u32 s1, $0x2  }
0x31: {  	s3 =	sand.u32 $0x4000, s31;
	s1 =	sadd.s32 s1, s30  }
0x32: {  	s0 =	sor.u32 s3, s0;
	s1 =	sshll.u32 s1, $0x11  }
0x33: {  	s0 =	sor.u32 s1, s0  }
0x34: {  	s0 =	sadd.s32 $0x8F2B, s0  }
0x35: {  	[sflag:s0] =	ssyncadd.remote.s32 $0x1  }
0x36: {  	_ =	sfence.sel $0xFFFF  }
0x37: {  	[dreg:$0x0] =	wrdreg $0xFFFFFFFF;
	(pc) =	sbr.abs _section_cstart, $3  }
0x38: {  	[dreg:$0x1] =	wrdreg $0xFFFFFFFF  }
0x39: {  	_ =	task.clear_ibuf [dreg:s7], $0x2FFFF;
	_ =	strace $0x9FFFFFFF  }
0x3a: {  	(tm) =	ssettm $0x7FFFFFFF  }
0x3b: {  	_ =	shalt  }
tec
execute0_lowered:
.L_overlay_start_1:
0x0: {  	(tag) =	ssettag $0x1  }
0x1: {  	s0 =	srdreg.scid  }
0x2: {  	s1 =	sshll.u32 s0, $0x4  }
0x3: {  	s0 =	stileid.u32;
	s1 =	sand.u32 $0x10, s1  }
0x4: {  	s1 =	sor.u32 s0, s1  }
0x5: {  	s6 =	rddreg [dreg:$0x0];
	s4 =	simm.s32 $0x1;
	s2 =	sshll.u32 s1, $0x7  }
0x6: {  	s7 =	simm.s32 $0x2;
	s12 =	simm.s32 $0x0;
	s1 =	ssub.s32 $0x1000, s2  }
0x7: {  	s8 =	simm.s32 $0x8000;
	s13 =	simm.s32 $0x0;
	s3 =	sand.u32 $0xF80, s1  }
0x8: {  	s9 =	simm.s32 $0x0;
	s5 =	sshrl.u32 s1, $0xC;
	p0 =	sne.s32 s3, $0x0  }
.Ltmp0:
0x9: {  	s1 =	rddreg [dreg:$0x2];
	s4 =	simm.s32 @!p0 $0x0;
	(pc) =	sbr.rel .LBB1_1-.Ltmp0, $4  }
0xa: {  	s11 =	simm.s32 $0x0;
	s3 =	rddreg [dreg:$0x1];
	s5 =	sadd.s32 s4, s5  }
0xb: {  	_ =	strace $0x8000004A;
	s4 =	simm.s32 $0x1;
	s5 =	smul.u32 $0xC8, s5  }
0xc: {  	s6 =	sadd.s32 $0x600, s6;
	s10 =	smov.u32 s2;
	[sflag:s4] =	ssyncpa.u1 $0x0  }
0xd: {  	p0 =	por $0x0, $0x0;
	[sflag:s7] =	ssyncpa.u1 $0x0;
	s7 =	sor.u32 $0x1, s5  }
.LBB1_4:
0xe: {  	s16 =	sshll.u32 s13, $0x3;
	s17 =	sand.u32 $0x78, s13  }
0xf: {  	s30 =	sand.u32 $0x7E00, s13;
	s12 =	sshll.u32 s12, $0xF;
	s16 =	sand.u32 $0xC00, s16  }
0x10: {  	[tilespmem:s15+$0x810 ss:$0x81] =	vst.msk $0xffff, v2;
	s31 =	sand.u32 $0x7, s13;
	s16 =	sor.u32 s17, s16;
	s17 =	sadd.s32 s3, s30  }
0x11: {  	[tilespmem:s15+$0x1020 ss:$0x81] =	vst.msk $0xffff, v0;
	s13 =	sshll.u32 s31, $0x12;
	s12 =	sadd.s32 s12, s17;
	s16 =	sshrl.u32 s16, $0x3  }
0x12: {  	[tilespmem:s15+$0x0 ss:$0x81] =	vst.msk $0xffff, v1;
	s13 =	sor.u32 $0x400, s13;
	s12 =	sadd.s32 s16, s12  }
0x13: {  	[hbm4b:s12+s13] =	stream.strided.scatter [tilespmem:s14], [sflag:$0x2], $0x2000, s8, s13, $0x20;
	[tilespmem:$0x8080] =	vst v63  }
.LBB1_5:
0x14: {  	s14 =	sadd.s32 $0x1, s9  }
0x15: {  	s12 =	sadd.s32 $0x1000, s10;
	s16 =	smov.u32 s10;
	p2 =	sgt.s32 s14, $0xC7  }
0x16: {  	s16 =	smov.u32 @p2 s12  }
0x17: {  	s14 =	simm.s32 @p2 $0x0;
	p2 =	sgt.s32 s16, $0xFFF  }
0x18: {  	s16 =	smov.u32 @p2 s2;
	p2 =	sne.s32 s11, s7  }
.Ltmp1:
0x19: {  	p1 =	slt.u32 s11, $0x2;
	(pc) =	sbr.rel @!p2 .LBB1_6-.Ltmp1, $4  }
0x1a: {  	s15 =	simm.s32 @!p1 $0x2  }
0x1b: {  	s13 =	smov.u32 s10;
	p0 =	por !p0, !p0;
	_ =	swait.ge @!p1 [sflag:s15], $0x2000  }
0x1c: {  	s12 =	smov.u32 s9;
	[sflag:s15] =	ssyncset.done @!p1 $0x0;
	s9 =	smov.u32 s14  }
0x1d: {  	s11 =	sadd.s32 $0x1, s11;
	[sflag:s15] =	ssyncadd.s32 @!p1 $0xFFFFE000;
	s10 =	smov.u32 s16  }
.LBB1_1:
0x1e: {  	p1 =	sge.u32 s11, s5  }
0x1f: {  	s14 =	sand.u32 @!p1 $0x1FFFFFF, s9  }
0x20: {  	s15 =	smulhi.u32 @!p1 $0x147AE15, s14;
	_ =	sdelay $0x1  }
0x21: {  	s15 =	smul.u32 @!p1 $0xC8, s15  }
0x22: {  	s16 =	sxor.u32 @!p1 $0xFFFFFFFF, s11;
	s17 =	smul.u32 @!p1 $0xC80, s10  }
0x23: {  	s31 =	sadd.s32 $0xFFFFFFFF, s11;
	s16 =	sshll.u32 @!p1 s16, $0xD;
	s14 =	ssub.s32 @!p1 s14, s15  }
0x24: {  	s15 =	sand.u32 @!p1 $0x2000, s16;
	s16 =	sadd.s32 @!p1 s6, s17;
	s14 =	sshll.u32 @!p1 s14, $0x4  }
0x25: {  	s17 =	simm.s32 @!p1 $0x6400;
	s14 =	sadd.s32 @!p1 s14, s16;
	s16 =	simm.s32 @!p1 $0x40  }
0x26: {  	[tilespmem:s15], [sflag:$0x1] =	stream.strided.gather @!p1 [hbm4b:s14+s16], $0x2000, s17, s16, $0x38;
	[tilespmem:$0x8080] =	vst v63  }
0x27: {  	p1 =	sge.u32 s31, s5  }
.Ltmp2:
0x28: {  	_ = 	snop;
	(pc) =	sbr.rel @p1 .LBB1_5-.Ltmp2, $1  }
0x29: {  	_ =	sdelay $0x3  }
0x2a: {  	s14 =	simm.s32 $0x1  }
0x2b: {  	_ =	swait.ge [sflag:s4], $0x2000;
	s14 =	simm.s32 @!p0 $0x0  }
0x2c: {  	[sflag:s4] =	ssyncset.done $0x0;
	s15 =	sshll.u32 s14, $0xD  }
0x2d: {  	[sflag:s4] =	ssyncadd.s32 $0xFFFFE000;
	s18 =	sor.u32 $0x20, s15  }
0x2e: {  	s14 =	smul.u32 $0x8100, s14;
	v3 =	vld [tilespmem:s18+$0x10]  }
0x2f: {  	s30 =	sand.u32 $0x1, s11;
	v2 =	vld [tilespmem:s18+$0xFFFFFFF0]  }
0x30: {  	s15 =	smul.u32 $0x8100, s30;
	s14 =	sshrl.u32 s14, $0x2;
	v0 =	vld [tilespmem:s18+$0x0]  }
0x31: {  	v1 =	vld [tilespmem:s18+$0xFFFFFFE0];
	s16 =	sor.u32 $0x4000, s14  }
0x32: {  	s31 =	sshrl.u32 s15, $0x2;
	s15 =	sadd.s32 $0x0, s16  }
0x33: {  	s17 =	simm.s32 $0x4;
	s18 =	sadd.s32 $0x40, s18;
	s14 =	sor.u32 $0x4000, s31;
	[tilespmem:s15+$0x1830 ss:$0x81] =	vst.msk $0xffff, v3  }
.LBB1_3:
0x34: {  	v3 =	vld [tilespmem:s18+$0x10];
	p1 =	sne.s32 s17, $0x1FC;
	[tilespmem:s15+$0x810 ss:$0x81] =	vst.msk $0xffff, v2;
	s19 =	smov.u32 s17;
	s17 =	sadd.s32 $0x4, s17  }
.Ltmp3:
0x35: {  	v2 =	vld [tilespmem:s18+$0xFFFFFFF0];
	[tilespmem:s15+$0x1020 ss:$0x81] =	vst.msk $0xffff, v0;
	(pc) =	sbr.rel @p1 .LBB1_3-.Ltmp3, $4  }
0x36: {  	v0 =	vld [tilespmem:s18+$0x0];
	[tilespmem:s15+$0x0 ss:$0x81] =	vst.msk $0xffff, v1  }
0x37: {  	s15 =	sshra.s32 s19, $0x2;
	v1 =	vld [tilespmem:s18+$0xFFFFFFE0]  }
0x38: {  	s15 =	sadd.s32 s15, s16  }
0x39: {  	s18 =	sadd.s32 $0x40, s18;
	[tilespmem:s15+$0x1830 ss:$0x81] =	vst.msk $0xffff, v3  }
.Ltmp4:
0x3a: {  	_ = 	snop;
	(pc) =	sbr.rel .LBB1_4-.Ltmp4, $1  }
0x3b: {  	_ =	sdelay $0x3  }
.LBB1_6:
0x3c: {  	_ =	sfence.sel $0x180000  }
0x3d: {  	s2 =	simm.s32 $0x1;
	[bflag:$0x0] =	sbarrier.arrive $0xFFFF  }
0x3e: {  	s31 =	simm.s32 $0x2;
	[sflag:s2] =	ssyncpa.u1 $0x1  }
0x3f: {  	[sflag:s31] =	ssyncpa.u1 $0x1  }
0x40: {  	p0 =	sne.s32 s0, $0x0;
	_ =	strace $0x9000004A  }
0x41: {  	s0 =	sadd.s32 @!p0 $0x100000, s1;
	[bflag:$0x2] =	sbarrier.arrive $0xFFFF  }
0x42: {  	[sflag:s0] =	ssyncadd.tile.s32 @!p0 $0x1;
	_ =	shalt  }
.Lfunc_end1:
_tile_overlayer_lowered:
.L_overlay_start_2:
0x43: {  	(tag) =	ssettag $0x2  }
0x44: {  	s0 =	rddreg [dreg:$0x0];
	s2 =	stileid.u32  }
0x45: {  	s1 =	rddreg [dreg:$0x1];
	p0 =	sne.s32 s2, $0x0  }
0x46: {  	s3 =	rddreg [dreg:$0x2];
	[bflag:$0x3] =	sbarrier.arrive $0xFFFF;
	s2 =	simm.s32 @!p0 $0x1C01  }
0x47: {  	[timem:s3], [sflag:s2] =	dma.local @!p0 [hbm:s0], s1  }
0x48: {  	s0 =	simm.s32 @!p0 $0x1  }
0x49: {  	_ =	swait.ge @!p0 [sflag:s0], s1  }
0x4a: {  	s1 =	ssub.s32 @!p0 $0x0, s1;
	[sflag:s0] =	ssyncset.done @!p0 $0x0  }
0x4b: {  	[sflag:s0] =	ssyncadd.s32 @!p0 s1  }
0x4c: {  	[bflag:$0x3] =	sbarrier.arrive $0xFFFF  }
0x4d: {  	_ =	shalt  }

</sc_bundles>
